<compile_context>
chip_gen: v7x
topology: tpu7x:2x2x1
jax: 0.10.2.dev20260603
libtpu: 0.0.44.dev20260713+nightly
codegen_flags: <defaults>
</compile_context>

<pallas_src>
import jax
import jax.numpy as jnp
import numpy as np
from jax.experimental import pallas as pl

_N = 20000
_CIN = 64
_COUT = 64
_K = 3
_SPATIAL = (41, 400, 352)
_PAD = 1
_TN = 400
_KK = _K ** 3

_DUMP = 1024
_MC = 41 * 41 * 42 * 42


def _mm1_body(f_ref, w_ref, o_ref):
    o_ref[0] = jnp.dot(f_ref[...], w_ref[0], preferred_element_type=jnp.float32)


def _mm2_body(g_ref, w_ref, o_ref):
    k = pl.program_id(1)
    acc = jnp.dot(g_ref[0], w_ref[0], preferred_element_type=jnp.float32)

    @pl.when(k == 0)
    def _():
        o_ref[...] = acc

    @pl.when(k != 0)
    def _():
        o_ref[...] = o_ref[...] + acc




def kernel(features, coors, batch_size, W, W_inv):
    N = features.shape[0]
    D, H, Wd = _SPATIAL

    b = coors[:, 0].astype(jnp.int32)
    z = coors[:, 1].astype(jnp.int32)
    y = coors[:, 2].astype(jnp.int32)
    x = coors[:, 3].astype(jnp.int32)
    offs = np.array([[kz, ky, kx] for kz in range(_K) for ky in range(_K)
                     for kx in range(_K)], dtype=np.int32)
    shifts = _PAD - offs
    sz = jnp.asarray(shifts[:, 0])[:, None]
    sy = jnp.asarray(shifts[:, 1])[:, None]
    sx = jnp.asarray(shifts[:, 2])[:, None]
    tz = z[None, :] + sz
    ty = y[None, :] + sy
    tx = x[None, :] + sx
    valid = (tz >= 0) & (tz < D) & (ty >= 0) & (ty < H) & (tx >= 0) & (tx < Wd)
    ch = ((b[None, :] * 41 + tz) * 42 + ty) * 42 + tx
    dump = _MC + (jnp.arange(N, dtype=jnp.int32) % _DUMP)
    ch = jnp.where(valid, ch, dump[None, :])

    grid1 = (_KK, N // _TN)
    contrib = pl.pallas_call(
        _mm1_body,
        grid=grid1,
        in_specs=[
            pl.BlockSpec((_TN, _CIN), lambda k, i: (i, 0)),
            pl.BlockSpec((1, _CIN, _COUT), lambda k, i: (k, 0, 0)),
        ],
        out_specs=pl.BlockSpec((1, _TN, _COUT), lambda k, i: (k, i, 0)),
        out_shape=jax.ShapeDtypeStruct((_KK, N, _COUT), jnp.float32),
    )(features, W)

    out = jnp.zeros((_MC + _DUMP, _COUT), dtype=features.dtype)
    out = out.at[ch.reshape(-1)].add(contrib.reshape(-1, _COUT))
    out = out.at[_MC:].set(0.0)

    gathered = jnp.take(out, ch, axis=0, mode="clip")

    grid2 = (N // _TN, _KK)
    x2 = pl.pallas_call(
        _mm2_body,
        grid=grid2,
        in_specs=[
            pl.BlockSpec((1, _TN, _COUT), lambda i, k: (k, i, 0)),
            pl.BlockSpec((1, _COUT, _CIN), lambda i, k: (k, 0, 0)),
        ],
        out_specs=pl.BlockSpec((_TN, _CIN), lambda i, k: (i, 0)),
        out_shape=jax.ShapeDtypeStruct((N, _CIN), jnp.float32),
    )(gathered, W_inv)
    return x2

# --- scband reference (transcript-rebuilt; emitter-appended) ---
"""Pipeline reference for scband-custom-net-59390807769139 (READ-ONLY COPY).

The authoritative reference and input builder live on the scoring server;
editing this copy changes nothing except your own understanding.
"""

import jax, jax.numpy as jnp
import numpy as np

N = 20000
C_IN = 64
C_OUT = 64
K = 3
SPATIAL = (41, 400, 352)
PAD = 1


def setup_inputs(seed: int = 0) -> dict:
    key = jax.random.key(seed)
    k1, k2, k3, k4 = jax.random.split(key, 4)
    features = jax.random.normal(k1, (N, C_IN), dtype=jnp.float32)
    # coors columns: [batch_idx, z, y, x]; all values in [0, 41) are in-range
    # for every spatial dim and for batch_size=41.
    coors = jax.random.randint(k2, (N, 4), 0, 41, dtype=jnp.int32)
    W = jax.random.normal(k3, (K ** 3, C_IN, C_OUT), dtype=jnp.float32) * 0.05
    W_inv = jax.random.normal(k4, (K ** 3, C_OUT, C_IN), dtype=jnp.float32) * 0.05
    return {"features": features, "coors": coors, "batch_size": 41, "W": W, "W_inv": W_inv}


def _hash(b, z, y, x):
    D, H, Wd = SPATIAL
    return ((b * D + z) * H + y) * Wd + x


def _build_rulebook(coors):
    # Sparse conv rulebook (stride=1, pad=1, dilation=1, kernel=3):
    # out[p] = sum_k W[k] @ in[p - PAD + k]  =>  input at c contributes to
    # output at p = c + PAD - k for each kernel offset k in {0,1,2}^3.
    D, H, Wd = SPATIAL
    b = coors[:, 0].astype(jnp.int32)
    z = coors[:, 1].astype(jnp.int32)
    y = coors[:, 2].astype(jnp.int32)
    x = coors[:, 3].astype(jnp.int32)
    offs = np.array([[kz, ky, kx] for kz in range(K) for ky in range(K) for kx in range(K)], dtype=np.int32)
    shifts = PAD - offs  # (27, 3)
    sz = jnp.asarray(shifts[:, 0])[:, None]
    sy = jnp.asarray(shifts[:, 1])[:, None]
    sx = jnp.asarray(shifts[:, 2])[:, None]
    tz = z[None, :] + sz
    ty = y[None, :] + sy
    tx = x[None, :] + sx
    valid = (tz >= 0) & (tz < D) & (ty >= 0) & (ty < H) & (tx >= 0) & (tx < Wd)
    th = _hash(b[None, :], tz, ty, tx)  # (27, N)
    th = jnp.where(valid, th, -1)
    SIZE = coors.shape[0] * (K ** 3)
    sentinel = jnp.iinfo(jnp.int32).max
    uh = jnp.unique(jnp.where(valid, th, sentinel).reshape(-1), size=SIZE, fill_value=sentinel)
    M = SIZE
    idx = jnp.searchsorted(uh, th)
    idx = jnp.clip(idx, 0, M - 1)
    valid = valid & (uh[idx] == th)
    return idx, valid, M


def reference(features, coors, batch_size, W, W_inv):
    idx, valid, M = _build_rulebook(coors)
    mask = valid.astype(features.dtype)[:, :, None]  # (27, N, 1)
    # SparseConv3d: per-kernel-offset GEMM then scatter-add into output voxels
    contrib = jnp.einsum('nc,kco->kno', features, W) * mask  # (27, N, C_OUT)
    out = jnp.zeros((M, C_OUT), dtype=features.dtype)
    out = out.at[idx.reshape(-1)].add(contrib.reshape(-1, C_OUT))
    # SparseInverseConv3d: same rulebook transposed, gather from conv output
    # back onto the original input coordinates
    gathered = out[idx] * mask  # (27, N, C_OUT)
    x2 = jnp.einsum('kno,koc->nc', gathered, W_inv)  # (N, C_IN)
    return x2

if __name__ == "__main__":
    import jax
    _d = setup_inputs()
    print(jax.jit(kernel)(*tuple(_d.values())))

</pallas_src>

<mosaic_0001>
module attributes {stable_mosaic.version = 14 : i64} {
  func.func @_mm1_body(%arg0: i32, %arg1: i32, %arg2: memref<400x64xf32, #tpu.memory_space<vmem>>, %arg3: memref<1x64x64xf32, #tpu.memory_space<vmem>>, %arg4: memref<1x400x64xf32, #tpu.memory_space<vmem>>) attributes {dimension_semantics = [#tpu.dimension_semantics<arbitrary>, #tpu.dimension_semantics<arbitrary>], iteration_bounds = array<i64: 27, 50>, scalar_prefetch = 0 : i64, scratch_operands = 0 : i64, tpu.core_type = #tpu.core_type<tc>, window_params = [{transform_indices = @transform_0, window_bounds = array<i64: 400, 64>}, {transform_indices = @transform_1, window_bounds = array<i64: 1, 64, 64>}, {transform_indices = @transform_2, window_bounds = array<i64: 1, 400, 64>}]} {
    %get3A = arith.constant 0 : index
    %get3A_0 = arith.constant 0 : index
    %get3A_1 = vector.load %arg2[%get3A, %get3A_0] : memref<400x64xf32, #tpu.memory_space<vmem>>, vector<400x64xf32>
    %get3A_2 = arith.constant 0 : index
    %get3A_3 = arith.constant 0 : index
    %get3A_4 = arith.constant 0 : index
    %get3A_5 = vector.load %arg3[%get3A_2, %get3A_3, %get3A_4] : memref<1x64x64xf32, #tpu.memory_space<vmem>>, vector<1x64x64xf32>
    %get3A_6 = vector.shape_cast %get3A_5 : vector<1x64x64xf32> to vector<64x64xf32>
    %dot_general3A = arith.constant dense<0.000000e+00> : vector<400x64xf32>
    %dot_general3A_7 = tpu.matmul %get3A_1, %get3A_6, %dot_general3A {dimension_numbers = #tpu.dot_dimension_numbers<[1], [0], [0], [1], [0, 0, 1, 1], [], []>, transpose_lhs_hint = false} : vector<400x64xf32>, vector<64x64xf32>, vector<400x64xf32> -> vector<400x64xf32>
    %swap3A = arith.constant 0 : index
    %swap3A_8 = arith.constant 0 : index
    %swap3A_9 = arith.constant 0 : index
    %swap3A_10 = vector.load %arg4[%swap3A, %swap3A_8, %swap3A_9] : memref<1x400x64xf32, #tpu.memory_space<vmem>>, vector<1x400x64xf32>
    %swap3A_11 = vector.shape_cast %swap3A_10 : vector<1x400x64xf32> to vector<400x64xf32>
    %swap3A_12 = vector.shape_cast %dot_general3A_7 : vector<400x64xf32> to vector<1x400x64xf32>
    tpu.vector_store %arg4[%swap3A, %swap3A_8, %swap3A_9], %swap3A_12 {strides = array<i32>} : memref<1x400x64xf32, #tpu.memory_space<vmem>>, vector<1x400x64xf32>,
    return
  }
  func.func @transform_0(%arg0: i32, %arg1: i32) -> (i32, i32) {
    %c0_i32 = arith.constant 0 : i32
    %c0_i32_0 = arith.constant 0 : i32
    return %arg1, %c0_i32 : i32, i32
  }
  func.func @transform_1(%arg0: i32, %arg1: i32) -> (i32, i32, i32) {
    %c0_i32 = arith.constant 0 : i32
    %c0_i32_0 = arith.constant 0 : i32
    %c0_i32_1 = arith.constant 0 : i32
    return %arg0, %c0_i32, %c0_i32_0 : i32, i32, i32
  }
  func.func @transform_2(%arg0: i32, %arg1: i32) -> (i32, i32, i32) {
    %c0_i32 = arith.constant 0 : i32
    %c0_i32_0 = arith.constant 0 : i32
    return %arg0, %arg1, %c0_i32 : i32, i32, i32
  }
}

module attributes {stable_mosaic.version = 14 : i64} {
  func.func @_mm2_body(%arg0: i32, %arg1: i32, %arg2: memref<1x400x64xf32, #tpu.memory_space<vmem>>, %arg3: memref<1x64x64xf32, #tpu.memory_space<vmem>>, %arg4: memref<400x64xf32, #tpu.memory_space<vmem>>) attributes {dimension_semantics = [#tpu.dimension_semantics<arbitrary>, #tpu.dimension_semantics<arbitrary>], iteration_bounds = array<i64: 50, 27>, scalar_prefetch = 0 : i64, scratch_operands = 0 : i64, tpu.core_type = #tpu.core_type<tc>, window_params = [{transform_indices = @transform_0, window_bounds = array<i64: 1, 400, 64>}, {transform_indices = @transform_1, window_bounds = array<i64: 1, 64, 64>}, {transform_indices = @transform_2, window_bounds = array<i64: 400, 64>}]} {
    %get3A = arith.constant 0 : index
    %get3A_0 = arith.constant 0 : index
    %get3A_1 = arith.constant 0 : index
    %get3A_2 = vector.load %arg2[%get3A, %get3A_0, %get3A_1] : memref<1x400x64xf32, #tpu.memory_space<vmem>>, vector<1x400x64xf32>
    %get3A_3 = vector.shape_cast %get3A_2 : vector<1x400x64xf32> to vector<400x64xf32>
    %get3A_4 = arith.constant 0 : index
    %get3A_5 = arith.constant 0 : index
    %get3A_6 = arith.constant 0 : index
    %get3A_7 = vector.load %arg3[%get3A_4, %get3A_5, %get3A_6] : memref<1x64x64xf32, #tpu.memory_space<vmem>>, vector<1x64x64xf32>
    %get3A_8 = vector.shape_cast %get3A_7 : vector<1x64x64xf32> to vector<64x64xf32>
    %dot_general3A = arith.constant dense<0.000000e+00> : vector<400x64xf32>
    %dot_general3A_9 = tpu.matmul %get3A_3, %get3A_8, %dot_general3A {dimension_numbers = #tpu.dot_dimension_numbers<[1], [0], [0], [1], [0, 0, 1, 1], [], []>, transpose_lhs_hint = false} : vector<400x64xf32>, vector<64x64xf32>, vector<400x64xf32> -> vector<400x64xf32>
    %eq3A = arith.constant 0 : i32
    %eq3A_10 = arith.cmpi eq, %arg1, %eq3A : i32
    %convert_element_type3A = arith.extui %eq3A_10 : i1 to i32
    %cond3A = arith.constant 0 : i32
    %cond3A_11 = arith.cmpi ne, %convert_element_type3A, %cond3A : i32
    scf.if %cond3A_11 {
      %swap3A = arith.constant 0 : index
      %swap3A_16 = arith.constant 0 : index
      %swap3A_17 = vector.load %arg4[%swap3A, %swap3A_16] : memref<400x64xf32, #tpu.memory_space<vmem>>, vector<400x64xf32>
      tpu.vector_store %arg4[%swap3A, %swap3A_16], %dot_general3A_9 {strides = array<i32>} : memref<400x64xf32, #tpu.memory_space<vmem>>, vector<400x64xf32>,
    } else {
    }
    %ne3A = arith.constant 0 : i32
    %ne3A_12 = arith.cmpi ne, %arg1, %ne3A : i32
    %convert_element_type3A_13 = arith.extui %ne3A_12 : i1 to i32
    %cond3A_14 = arith.constant 0 : i32
    %cond3A_15 = arith.cmpi ne, %convert_element_type3A_13, %cond3A_14 : i32
    scf.if %cond3A_15 {
      %get3A_16 = arith.constant 0 : index
      %get3A_17 = arith.constant 0 : index
      %get3A_18 = vector.load %arg4[%get3A_16, %get3A_17] : memref<400x64xf32, #tpu.memory_space<vmem>>, vector<400x64xf32>
      %add3A = arith.addf %get3A_18, %dot_general3A_9 : vector<400x64xf32>
      %swap3A = arith.constant 0 : index
      %swap3A_19 = arith.constant 0 : index
      %swap3A_20 = vector.load %arg4[%swap3A, %swap3A_19] : memref<400x64xf32, #tpu.memory_space<vmem>>, vector<400x64xf32>
      tpu.vector_store %arg4[%swap3A, %swap3A_19], %add3A {strides = array<i32>} : memref<400x64xf32, #tpu.memory_space<vmem>>, vector<400x64xf32>,
    } else {
    }
    return
  }
  func.func @transform_0(%arg0: i32, %arg1: i32) -> (i32, i32, i32) {
    %c0_i32 = arith.constant 0 : i32
    %c0_i32_0 = arith.constant 0 : i32
    return %arg1, %arg0, %c0_i32 : i32, i32, i32
  }
  func.func @transform_1(%arg0: i32, %arg1: i32) -> (i32, i32, i32) {
    %c0_i32 = arith.constant 0 : i32
    %c0_i32_0 = arith.constant 0 : i32
    %c0_i32_1 = arith.constant 0 : i32
    return %arg1, %c0_i32, %c0_i32_0 : i32, i32, i32
  }
  func.func @transform_2(%arg0: i32, %arg1: i32) -> (i32, i32) {
    %c0_i32 = arith.constant 0 : i32
    %c0_i32_0 = arith.constant 0 : i32
    return %arg0, %c0_i32 : i32, i32
  }
}

</mosaic_0001>

<sc_bundles>
// kernel: gather_offload_async_start
scs
__scs_entry_jumppad:
0x0: {  	(pc) =	sbr.rel $0x88, $3  }
0x1: {  	(tag) =	ssettag $0x0;
	lr =	simm.s32 $0x1  }
0x2: {  	[smem:$0x3F9D] =	sst lr;
	_ =	strace $0xD0000000  }
0x3: {  	_ = 	snop  }
0x4: {  	_ = 	snop  }
0x5: {  	_ = 	snop  }
0x6: {  	_ = 	snop  }
0x7: {  	_ = 	snop  }
__scs_overlays_trampoline_lowered:
0x8: {  	[smem:$0x3FAC] =	sst s0  }
0x9: {  	[smem:$0x3FAD] =	sst s1  }
0xa: {  	[smem:$0x3FAE] =	sst s2  }
0xb: {  	[smem:$0x3FAF] =	sst s3  }
0xc: {  	[smem:$0x3FB0] =	sst s4  }
0xd: {  	[smem:$0x3FB1] =	sst s5  }
0xe: {  	[smem:$0x3FB2] =	sst s6  }
0xf: {  	[smem:$0x3FB3] =	sst s7  }
0x10: {  	[smem:$0x3FB4] =	sst s8  }
0x11: {  	[smem:$0x3FB5] =	sst s9;
	s0 =	simm.s32 @!p0 $0x0  }
0x12: {  	s1 =	sld [smem:$0x3F9B];
	s0 =	simm.s32 @p0 $0x1  }
0x13: {  	[smem:$0x3FB6] =	sst s0;
	s0 =	simm.s32 @!p1 $0x0  }
0x14: {  	s2 =	sld [smem:$0x3F9A];
	s0 =	simm.s32 @p1 $0x1  }
0x15: {  	[smem:$0x3FB7] =	sst s0;
	s0 =	simm.s32 @!p2 $0x0  }
0x16: {  	s3 =	sld [smem:$0x3FDB];
	s0 =	simm.s32 @p2 $0x1  }
0x17: {  	s4 =	simm.s32 $0x1BF5;
	[smem:$0x3FB9] =	sst s0  }
0x18: {  	s0 =	sld [smem:$0x3F9C];
	_ =	swait.ge [sflag:s4], $0x0  }
0x19: {  	s7 =	sld [smem:$0x3F9D]  }
0x1a: {  	s8 =	sadd.s32 $0xFFFFE003, lr  }
0x1b: {  	s9 =	sadd.s32 $0xFFFFFEF7, lr;
	s5 =	simm.s32 $0xFFFFFFFF;
	p2 =	slt.u32 s8, $0xFFFFF086  }
0x1c: {  	p1 =	slt.u32 s9, $0xF7A;
	s5 =	simm.s32 @!p2 $0x0  }
0x1d: {  	s5 =	simm.s32 @p1 $0x1;
	p0 =	seq.s32 s7, s2  }
0x1e: {  	s7 =	smul.u32 @!p0 $0xF7A, s2;
	p2 =	seq.s32 @!p0 s5, $0x0  }
0x1f: {  	s9 =	smul.u32 $0xF7A, s1;
	s8 =	simm.s32 @!p0 $0x1BF5;
	p2 =	por !p2, p0  }
0x20: {  	[sflag:s8] =	ssyncset.s32 @!p0 $0xFFFFF086;
	s6 =	sadd.s32 @!p0 s3, s7;
	s7 =	simm.s32 @!p0 $0x108  }
0x21: {  	s3 =	sadd.s32 s3, s9;
	s6 =	sadd.s32 @!p0 $0x88, s6;
	s7 =	simm.s32 @p2 $0x1082  }
0x22: {  	[simem:s7], [sflag:s8] =	dma.local @!p0 [hbm:s6], $0xF7A  }
0x23: {  	s9 =	sor.u32 $0xD0000000, s2;
	s6 =	simm.s32 $0x108;
	_ =	swait.ge @!p0 [sflag:s8], $0x0  }
0x24: {  	s3 =	sadd.s32 $0x88, s3;
	s6 =	simm.s32 @!p1 $0x1082;
	[sflag:s4] =	ssyncset.s32 $0xFFFFF086  }
0x25: {  	[simem:s6], [sflag:s4] =	dma.local [hbm:s3], $0xF7A  }
0x26: {  	[smem:$0x3F9D] =	sst s1;
	(tag) =	ssettag s2;
	_ =	strace s9  }
0x27: {  	s1 =	sld [smem:$0x3FAD]  }
0x28: {  	s2 =	sld [smem:$0x3FAE]  }
0x29: {  	s4 =	sld [smem:$0x3FB0]  }
0x2a: {  	p0 =	seq.s32 s5, $0x0;
	s5 =	sld [smem:$0x3FB1]  }
0x2b: {  	s6 =	sld [smem:$0x3FB2]  }
0x2c: {  	s7 =	sld [smem:$0x3FB3]  }
0x2d: {  	s3 =	simm.s32 $0x108;
	s8 =	sld [smem:$0x3FB4]  }
0x2e: {  	s3 =	simm.s32 @!p0 $0x1082;
	s9 =	sld [smem:$0x3FB5]  }
0x2f: {  	lr =	sadd.s32 s0, s3;
	s0 =	sld [smem:$0x3FAC]  }
0x30: {  	s3 =	sld [smem:$0x3FAF]  }
0x31: {  	[smem:$0x3FB8] =	sst s10  }
0x32: {  	s10 =	sld [smem:$0x3FB6];
	_ =	sdelay $0x3  }
0x33: {  	p0 =	seq.s32 s10, $0x1;
	s10 =	sld [smem:$0x3FB8];
	_ =	sdelay $0x3  }
0x34: {  	[smem:$0x3FB8] =	sst s10  }
0x35: {  	s10 =	sld [smem:$0x3FB7];
	_ =	sdelay $0x3  }
0x36: {  	p1 =	seq.s32 s10, $0x1;
	s10 =	sld [smem:$0x3FB8];
	_ =	sdelay $0x3  }
0x37: {  	[smem:$0x3FB8] =	sst s10  }
0x38: {  	s10 =	sld [smem:$0x3FB9]  }
0x39: {  	_ = 	snop;
	(pc) =	sbr.ind lr, $3  }
0x3a: {  	_ = 	snop  }
0x3b: {  	_ = 	snop  }
0x3c: {  	p2 =	seq.s32 s10, $0x1;
	s10 =	sld [smem:$0x3FB8]  }
0x3d: {  	_ =	shalt  }
0x3e: {  	_ =	shalt  }
0x3f: {  	_ =	shalt  }
0x40: {  	_ =	shalt  }
0x41: {  	_ =	shalt  }
0x42: {  	_ =	shalt  }
0x43: {  	_ =	shalt  }
0x44: {  	_ =	shalt  }
0x45: {  	_ =	shalt  }
0x46: {  	_ =	shalt  }
0x47: {  	_ =	shalt  }
0x48: {  	_ =	shalt  }
0x49: {  	_ =	shalt  }
0x4a: {  	_ =	shalt  }
0x4b: {  	_ =	shalt  }
0x4c: {  	_ =	shalt  }
0x4d: {  	_ =	shalt  }
0x4e: {  	_ =	shalt  }
0x4f: {  	_ =	shalt  }
0x50: {  	_ =	shalt  }
0x51: {  	_ =	shalt  }
0x52: {  	_ =	shalt  }
0x53: {  	_ =	shalt  }
0x54: {  	_ =	shalt  }
0x55: {  	_ =	shalt  }
0x56: {  	_ =	shalt  }
0x57: {  	_ =	shalt  }
0x58: {  	_ =	shalt  }
0x59: {  	_ =	shalt  }
0x5a: {  	_ =	shalt  }
0x5b: {  	_ =	shalt  }
0x5c: {  	_ =	shalt  }
0x5d: {  	_ =	shalt  }
0x5e: {  	_ =	shalt  }
0x5f: {  	_ =	shalt  }
0x60: {  	_ =	shalt  }
0x61: {  	_ =	shalt  }
0x62: {  	_ =	shalt  }
0x63: {  	_ =	shalt  }
0x64: {  	_ =	shalt  }
0x65: {  	_ =	shalt  }
0x66: {  	_ =	shalt  }
0x67: {  	_ =	shalt  }
0x68: {  	_ =	shalt  }
0x69: {  	_ =	shalt  }
0x6a: {  	_ =	shalt  }
0x6b: {  	_ =	shalt  }
0x6c: {  	_ =	shalt  }
0x6d: {  	_ =	shalt  }
0x6e: {  	_ =	shalt  }
0x6f: {  	_ =	shalt  }
0x70: {  	_ =	shalt  }
0x71: {  	_ =	shalt  }
0x72: {  	_ =	shalt  }
0x73: {  	_ =	shalt  }
0x74: {  	_ =	shalt  }
0x75: {  	_ =	shalt  }
0x76: {  	_ =	shalt  }
0x77: {  	_ =	shalt  }
0x78: {  	_ =	shalt  }
0x79: {  	_ =	shalt  }
0x7a: {  	_ =	shalt  }
0x7b: {  	_ =	shalt  }
0x7c: {  	_ =	shalt  }
0x7d: {  	_ =	shalt  }
0x7e: {  	_ =	shalt  }
0x7f: {  	_ =	shalt  }
0x80: {  	_ =	shalt  }
0x81: {  	_ =	shalt  }
0x82: {  	_ =	shalt  }
0x83: {  	_ =	shalt  }
0x84: {  	_ =	shalt  }
0x85: {  	_ =	shalt  }
0x86: {  	_ =	shalt  }
0x87: {  	_ =	shalt  }
.Lfunc_end0:
.L_simem_size_0:
called_computation.1_lowered:
.L_overlay_start_0:
0x88: {  	s2 =	sld [smem:$0x3FD9]  }
0x89: {  	s3 =	sld [smem:$0x3FFE];
	_ =	sdelay $0x1  }
0x8a: {  	s1 =	srdreg.scid  }
0x8b: {  	s0 =	sand.u32 $0x1, s1  }
0x8c: {  	s16 =	sshll.u32 s0, $0xA;
	s2 =	sadd.s32 s3, s2  }
0x8d: {  	s2 =	sadd.s32 s2, s16  }
0x8e: {  	[smem:$0x3FC4] =	sst s2  }
0x8f: {  	_ = 	snop  }
0x90: {  	(tm) =	ssettm $0x1  }
0x91: {  	s17 =	sld [smem:$0x3FFB];
	_ =	sdelay $0x3  }
0x92: {  	_ =	strace s17  }
0x93: {  	s2 =	sld [smem:$0x3FFC];
	_ =	sdelay $0x3  }
0x94: {  	_ =	strace s2  }
0x95: {  	s2 =	sld [smem:$0x3FFD];
	_ =	sdelay $0x3  }
0x96: {  	_ =	strace s2  }
0x97: {  	_ =	strace $0x8FFFFFFF  }
0x98: {  	s18 =	sld [smem:$0x3FDB];
	_ =	sdelay $0x1  }
0x99: {  	s19 =	simm.s32 $_scs_section_size  }
0x9a: {  	s4 =	simm.s32 $_size__tile_overlayer_lowered;
	s5 =	simm.s32 $_tile_overlayer_lowered  }
0x9b: {  	s22 =	simm.s32 $0x1BFF;
	s21 =	sshll.u32 s5, $0x1;
	s2 =	sadd.s32 s19, s18  }
0x9c: {  	s6 =	simm.s32 $0x0;
	s20 =	sshll.u32 s4, $0x1;
	s4 =	sadd.s32 s21, s2  }
0x9d: {  	[timem:s6], [sflag:s22] =	dma.local [hbm:s4], s20  }
0x9e: {  	_ =	swait.ge [sflag:s22], s20  }
0x9f: {  	s3 =	ssub.s32 $0x0, s20;
	[sflag:s22] =	ssyncset.done $0x0  }
0xa0: {  	[sflag:s22] =	ssyncadd.s32 s3;
	_ =	sdelay $0x1  }
0xa1: {  	s23 =	simm.s32 $0x1B8B  }
0xa2: {  	_ =	swait.ge [sflag:s23], $0x1  }
0xa3: {  	[sflag:s23] =	ssyncset.done $0x0  }
0xa4: {  	s25 =	simm.s32 $0x1B8E;
	s24 =	sld [smem:$0x3FFE];
	[sflag:s23] =	ssyncadd.s32 $0xFFFFFFFF  }
0xa5: {  	s26 =	simm.s32 $execute0_lowered;
	[smem:$0x3FD2] =	sst s25  }
0xa6: {  	s4 =	sshll.u32 s26, $0x1;
	_ =	strace $0x80000049;
	[dreg:$0x1] =	wrdreg $0xFFFFFFFF  }
0xa7: {  	s28 =	simm.s32 $_size_execute0_lowered;
	s2 =	sadd.s32 s2, s4;
	[dreg:$0x0] =	wrdreg $0x0  }
0xa8: {  	s4 =	sshll.u32 s28, $0x1;
	[dreg:$0x2] =	wrdreg s2  }
0xa9: {  	[dreg:$0x3] =	wrdreg s4  }
0xaa: {  	[dreg:$0x4] =	wrdreg $0xC0  }
0xab: {  	_ =	task [dreg:s6], $0x5FFFF  }
0xac: {  	[dreg:$0x1] =	wrdreg $0xFFFFFFFF  }
0xad: {  	[dreg:$0x0] =	wrdreg $0x60  }
0xae: {  	[dreg:$0x2] =	wrdreg s24  }
0xaf: {  	[dreg:$0x3] =	wrdreg $0x9  }
0xb0: {  	_ =	task.clear_ibuf [dreg:s6], $0x4FFFF;
	_ =	strace $0x90000049  }
0xb1: {  	s29 =	simm.s32 $0x9;
	_ =	strace $0x8000004B  }
0xb2: {  	_ =	swait.ge [sflag:s29], $0x1  }
0xb3: {  	[sflag:s29] =	ssyncadd.s32 $0xFFFFFFFF  }
0xb4: {  	_ =	strace $0x9000004B  }
0xb5: {  	_ =	sfence  }
0xb6: {  	s30 =	sld [smem:$0x0];
	_ =	sdelay $0x2  }
0xb7: {  	s31 =	sshll.u32 s1, $0xD;
	s1 =	sshrl.u32 s1, $0x2  }
0xb8: {  	s3 =	sand.u32 $0x4000, s31;
	s1 =	sadd.s32 s1, s30  }
0xb9: {  	s0 =	sor.u32 s3, s0;
	s1 =	sshll.u32 s1, $0x11  }
0xba: {  	s0 =	sor.u32 s1, s0  }
0xbb: {  	s0 =	sadd.s32 $0x8F2B, s0  }
0xbc: {  	[sflag:s0] =	ssyncadd.remote.s32 $0x1  }
0xbd: {  	_ =	sfence.sel $0xFFFF  }
0xbe: {  	[dreg:$0x0] =	wrdreg $0xFFFFFFFF;
	(pc) =	sbr.abs _section_cstart, $3  }
0xbf: {  	[dreg:$0x1] =	wrdreg $0xFFFFFFFF  }
0xc0: {  	_ =	task.clear_ibuf [dreg:s6], $0x2FFFF;
	_ =	strace $0x9FFFFFFF  }
0xc1: {  	(tm) =	ssettm $0x7FFFFFFF  }
tec
execute0_lowered:
.L_overlay_start_1:
0x0: {  	(tag) =	ssettag $0x1  }
0x1: {  	s0 =	srdreg.scid  }
0x2: {  	s1 =	sshll.u32 s0, $0x4  }
0x3: {  	s0 =	stileid.u32;
	s1 =	sand.u32 $0x10, s1  }
0x4: {  	s1 =	sor.u32 s0, s1  }
0x5: {  	s2 =	smul.u32 $0x2E, s1  }
0x6: {  	s3 =	smin.u32 s1, $0x1C  }
0x7: {  	s2 =	sadd.s32 s3, s2  }
0x8: {  	p0 =	slt.u32 s1, $0x1C;
	s1 =	simm.s32 $0x4218;
	s2 =	smul.u32 $0x168, s2  }
0x9: {  	s1 =	simm.s32 @!p0 $0x40B0  }
0xa: {  	s1 =	sadd.s32 s1, s2  }
0xb: {  	s3 =	smin.u32 s1, $0x83D60  }
0xc: {  	s7 =	ssub.s32 s3, s2  }
0xd: {  	p0 =	sgt.s32 s7, $0x0  }
0xe: {  	s7 =	simm.s32 @!p0 $0x0  }
0xf: {  	s31 =	smulhi.u32 $0xB60B60B7, s7  }
0x10: {  	s4 =	rddreg [dreg:$0x0];
	s6 =	simm.s32 $0x1  }
0x11: {  	s10 =	simm.s32 $0x3;
	s13 =	simm.s32 $0x0;
	s8 =	sshrl.u32 s31, $0x8  }
0x12: {  	s12 =	simm.s32 $0x0;
	s5 =	sadd.s32 $0x851000, s4;
	s9 =	smul.u32 $0x168, s8  }
.Ltmp0:
0x13: {  	s11 =	smov.u32 s2;
	s1 =	rddreg [dreg:$0x1];
	(pc) =	sbr.rel .LBB2_1-.Ltmp0, $4  }
0x14: {  	_ =	strace $0x8000004A;
	p0 =	sne.s32 s7, s9;
	s9 =	simm.s32 $0x1  }
0x15: {  	[sflag:s6] =	ssyncpa.u1 $0x0;
	s7 =	simm.s32 $0x2;
	s9 =	simm.s32 @!p0 $0x0  }
0x16: {  	[sflag:s7] =	ssyncpa.u1 $0x0;
	p0 =	por $0x0, $0x0;
	s8 =	sadd.s32 s9, s8  }
0x17: {  	vm0 =	vmmov $0xff;
	vm1 =	vcmask $0x3F20;
	s9 =	sadd.s32 $0x3594400, s4;
	[sflag:s10] =	ssyncpa.u1 $0x0;
	s10 =	sadd.s32 $0x1, s8  }
.LBB2_6:
0x18: {  	[hbm:s17] =	stream.linear.scatter [tilespmem:s14], [sflag:$0x3], $0x400, $0x38;
	[tilespmem:$0x16AD0] =	vst v63  }
.LBB2_7:
0x19: {  	s13 =	sadd.s32 $0x168, s11  }
0x1a: {  	s15 =	smov.u32 s2;
	p2 =	slt.s32 s13, s3  }
0x1b: {  	s15 =	smov.u32 @p2 s13;
	p2 =	sne.s32 s12, s10  }
.Ltmp1:
0x1c: {  	p1 =	slt.u32 s12, $0x2;
	(pc) =	sbr.rel @!p2 .LBB2_8-.Ltmp1, $4  }
0x1d: {  	s14 =	simm.s32 @!p1 $0x3  }
0x1e: {  	s16 =	sadd.s32 $0x1, s12;
	_ =	swait.ge @!p1 [sflag:s14], $0xB400  }
0x1f: {  	p0 =	por !p0, !p0;
	s13 =	smov.u32 s11;
	[sflag:s14] =	ssyncset.done @!p1 $0x0  }
0x20: {  	s12 =	smov.u32 s16;
	s11 =	smov.u32 s15;
	[sflag:s14] =	ssyncadd.s32 @!p1 $0xFFFF4C00  }
.LBB2_1:
0x21: {  	p1 =	sge.u32 s12, s8  }
0x22: {  	s14 =	sxor.u32 @!p1 $0xFFFFFFFF, s12  }
0x23: {  	s14 =	sand.u32 @!p1 $0x1, s14  }
0x24: {  	s14 =	smul.u32 @!p1 $0x5A0, s14  }
0x25: {  	s31 =	sadd.s32 $0xFFFFFFFF, s12;
	s15 =	sshrl.u32 @!p1 s11, $0x3  }
0x26: {  	s16 =	sand.u32 @!p1 $0x7, s11;
	s15 =	sadd.s32 @!p1 s9, s15;
	s14 =	sshrl.u32 @!p1 s14, $0x2  }
0x27: {  	[tilespmem:s14], [sflag:$0x2] =	stream.linear.gather @!p1 [hbm4b:s15+s16], $0x168, $0x38;
	[tilespmem:$0x16AD0] =	vst v63  }
0x28: {  	p1 =	sge.u32 s31, s8  }
.Ltmp2:
0x29: {  	_ = 	snop;
	(pc) =	sbr.rel @p1 .LBB2_7-.Ltmp2, $1  }
0x2a: {  	_ =	sdelay $0x3  }
0x2b: {  	s14 =	simm.s32 $0x1  }
0x2c: {  	s14 =	simm.s32 @!p0 $0x0  }
0x2d: {  	s15 =	smul.u32 $0x5A0, s14  }
0x2e: {  	_ =	swait.ge [sflag:s7], $0x168  }
0x2f: {  	[sflag:s7] =	ssyncset.done $0x0;
	s16 =	sshrl.u32 s15, $0x2  }
0x30: {  	[sflag:s7] =	ssyncadd.s32 $0xFFFFFE98;
	s15 =	sadd.s32 $0x0, s16  }
0x31: {  	v0 =	vld.msk [tilespmem:s15+$0x0 ss:$0x1], $0xffff;
	_ =	sdelay $0x4  }
0x32: {  	vm2 =	vgt.s32 v0, $0x0  }
0x33: {  	v0 =	vnsel vm2, $0x0, v0  }
0x34: {  	v0 =	vmin.u32 v0, $0x2D4323  }
0x35: {  	v0 =	vshll.u32 v0, $0x4  }
0x36: {  	s14 =	smul.u32 $0x2D000, s14  }
0x37: {  	s31 =	sand.u32 $0x1, s12  }
0x38: {  	s17 =	smul.u32 $0x5A0, s31;
	s14 =	sshrl.u32 s14, $0x2  }
0x39: {  	s19 =	smul.u32 $0x2D000, s31;
	s14 =	sor.u32 $0x2D0, s14  }
0x3a: {  	[tilespmem:s14], [sflag:$0x1] =	stream.indirect_vreg.gather [hbm:s5], $0x80, v0, vm0, $0x38;
	[tilespmem:$0x16AD0] =	vst v63  }
0x3b: {  	s18 =	sshrl.u32 s17, $0x2;
	s20 =	sadd.s32 $0x10, s16;
	s15 =	sadd.s32 $0x400, s14  }
0x3c: {  	[tilespmem:s15], [sflag:$0x1] =	stream.indirect_vreg.gather [hbm:s5], $0x80, v0, vm1, $0x38;
	[tilespmem:$0x16AD0] =	vst v63  }
0x3d: {  	s17 =	sshrl.u32 s19, $0x2;
	s19 =	smov.u32 s14;
	v0 =	vld.msk [tilespmem:s20+$0x0 ss:$0x1], $0xffff;
	s20 =	simm.s32 $0x80  }
.LBB2_3:
0x3e: {  	p1 =	sne.s32 s20, $0x540;
	_ =	sdelay $0x4  }
0x3f: {  	vm2 =	vgt.s32 v0, $0x0  }
0x40: {  	v0 =	vnsel vm2, $0x0, v0  }
0x41: {  	v0 =	vmin.u32 v0, $0x2D4323  }
0x42: {  	v0 =	vshll.u32 v0, $0x4;
	_ =	sdelay $0x3  }
.Ltmp3:
0x43: {  	s21 =	sshra.s32 s20, $0x2;
	s19 =	sadd.s32 $0x800, s19;
	(pc) =	sbr.rel @p1 .LBB2_3-.Ltmp3, $4  }
0x44: {  	[tilespmem:s19], [sflag:$0x1] =	stream.indirect_vreg.gather [hbm:s5], $0x80, v0, vm0, $0x38;
	[tilespmem:$0x16AD0] =	vst v63  }
0x45: {  	s21 =	sadd.s32 s21, s16;
	s22 =	sadd.s32 $0x400, s19  }
0x46: {  	[tilespmem:s22], [sflag:$0x1] =	stream.indirect_vreg.gather [hbm:s5], $0x80, v0, vm1, $0x38;
	[tilespmem:$0x16AD0] =	vst v63  }
0x47: {  	s20 =	sadd.s32 $0x40, s20;
	v0 =	vld.msk [tilespmem:s21+$0x0 ss:$0x1], $0xffff  }
0x48: {  	_ =	sdelay $0x3  }
0x49: {  	vm2 =	vgt.s32 v0, $0x0  }
0x4a: {  	v0 =	vnsel vm2, $0x0, v0  }
0x4b: {  	v0 =	vmin.u32 v0, $0x2D4323  }
0x4c: {  	v0 =	vshll.u32 v0, $0x4;
	_ =	sdelay $0x3  }
0x4d: {  	s16 =	sadd.s32 $0x800, s19  }
0x4e: {  	[tilespmem:s16], [sflag:$0x1] =	stream.indirect_vreg.gather [hbm:s5], $0x80, v0, vm0, $0x38;
	[tilespmem:$0x16AD0] =	vst v63  }
0x4f: {  	s16 =	sadd.s32 $0x400, s16  }
0x50: {  	[tilespmem:s16], [sflag:$0x1] =	stream.indirect_vreg.gather [hbm:s5], $0x80, v0, vm1, $0x38;
	[tilespmem:$0x16AD0] =	vst v63  }
0x51: {  	v0 =	vld.msk [tilespmem:s18+$0x160 ss:$0x1], $0xff;
	_ =	sdelay $0x4  }
0x52: {  	vm2 =	vgt.s32 v0, $0x0  }
0x53: {  	v0 =	vnsel vm2, $0x0, v0  }
0x54: {  	v0 =	vmin.u32 v0, $0x2D4323  }
0x55: {  	v0 =	vshll.u32 v0, $0x4;
	_ =	sdelay $0x3  }
0x56: {  	s31 =	sadd.s32 $0xB2D0, s17  }
0x57: {  	[tilespmem:s31], [sflag:$0x1] =	stream.indirect_vreg.gather [hbm:s5], $0x80, v0, vm0, $0x38;
	[tilespmem:$0x16AD0] =	vst v63  }
0x58: {  	s13 =	sshll.u32 s13, $0x4;
	_ =	swait.ge [sflag:s6], $0xB400  }
0x59: {  	s13 =	sadd.s32 s13, s4;
	[sflag:s6] =	ssyncset.done $0x0  }
0x5a: {  	s17 =	sadd.s32 $0x0, s13;
	s16 =	simm.s32 $0x80;
	[sflag:s6] =	ssyncadd.s32 $0xFFFF4C00  }
.LBB2_5:
0x5b: {  	[hbm:s17] =	stream.linear.scatter [tilespmem:s14], [sflag:$0x3], $0x400, $0x38;
	[tilespmem:$0x16AD0] =	vst v63  }
0x5c: {  	s17 =	smov.u32 s16;
	s14 =	smov.u32 s15;
	p1 =	sne.s32 s16, $0x1600  }
.Ltmp4:
0x5d: {  	s16 =	sadd.s32 $0x80, s16;
	(pc) =	sbr.rel @p1 .LBB2_5-.Ltmp4, $2  }
0x5e: {  	_ =	sdelay $0x2  }
0x5f: {  	s15 =	sadd.s32 $0x400, s15;
	s17 =	sadd.s32 s17, s13  }
.Ltmp5:
0x60: {  	_ = 	snop;
	(pc) =	sbr.rel .LBB2_6-.Ltmp5, $1  }
0x61: {  	_ =	sdelay $0x3  }
.LBB2_8:
0x62: {  	_ =	sfence.sel $0x180000  }
0x63: {  	s2 =	simm.s32 $0x2;
	[bflag:$0x0] =	sbarrier.arrive $0xFFFF  }
0x64: {  	s30 =	simm.s32 $0x3;
	[sflag:s2] =	ssyncpa.u1 $0x1  }
0x65: {  	s31 =	simm.s32 $0x1;
	[sflag:s30] =	ssyncpa.u1 $0x1  }
0x66: {  	[sflag:s31] =	ssyncpa.u1 $0x1  }
0x67: {  	p0 =	sne.s32 s0, $0x0;
	_ =	strace $0x9000004A  }
0x68: {  	s0 =	sadd.s32 @!p0 $0x100000, s1;
	[bflag:$0x2] =	sbarrier.arrive $0xFFFF  }
0x69: {  	[sflag:s0] =	ssyncadd.tile.s32 @!p0 $0x1;
	_ =	shalt  }
.Lfunc_end2:
_tile_overlayer_lowered:
.L_overlay_start_2:
0x6a: {  	(tag) =	ssettag $0x2  }
0x6b: {  	s0 =	rddreg [dreg:$0x0];
	s2 =	stileid.u32  }
0x6c: {  	s1 =	rddreg [dreg:$0x1];
	p0 =	sne.s32 s2, $0x0  }
0x6d: {  	s3 =	rddreg [dreg:$0x2];
	[bflag:$0x3] =	sbarrier.arrive $0xFFFF;
	s2 =	simm.s32 @!p0 $0x1C01  }
0x6e: {  	[timem:s3], [sflag:s2] =	dma.local @!p0 [hbm:s0], s1  }
0x6f: {  	s0 =	simm.s32 @!p0 $0x1  }
0x70: {  	_ =	swait.ge @!p0 [sflag:s0], s1  }
0x71: {  	s1 =	ssub.s32 @!p0 $0x0, s1;
	[sflag:s0] =	ssyncset.done @!p0 $0x0  }
0x72: {  	[sflag:s0] =	ssyncadd.s32 @!p0 s1  }
0x73: {  	[bflag:$0x3] =	sbarrier.arrive $0xFFFF  }
0x74: {  	_ =	shalt  }

// kernel: scatter_offload_async_start
scs
__scs_entry_jumppad:
0x0: {  	(pc) =	sbr.rel $0x88, $3  }
0x1: {  	(tag) =	ssettag $0x0;
	lr =	simm.s32 $0x1  }
0x2: {  	[smem:$0x3F9D] =	sst lr;
	_ =	strace $0xD0000000  }
0x3: {  	_ = 	snop  }
0x4: {  	_ = 	snop  }
0x5: {  	_ = 	snop  }
0x6: {  	_ = 	snop  }
0x7: {  	_ = 	snop  }
__scs_overlays_trampoline_lowered:
0x8: {  	[smem:$0x3FAC] =	sst s0  }
0x9: {  	[smem:$0x3FAD] =	sst s1  }
0xa: {  	[smem:$0x3FAE] =	sst s2  }
0xb: {  	[smem:$0x3FAF] =	sst s3  }
0xc: {  	[smem:$0x3FB0] =	sst s4  }
0xd: {  	[smem:$0x3FB1] =	sst s5  }
0xe: {  	[smem:$0x3FB2] =	sst s6  }
0xf: {  	[smem:$0x3FB3] =	sst s7  }
0x10: {  	[smem:$0x3FB4] =	sst s8  }
0x11: {  	[smem:$0x3FB5] =	sst s9;
	s0 =	simm.s32 @!p0 $0x0  }
0x12: {  	s1 =	sld [smem:$0x3F9B];
	s0 =	simm.s32 @p0 $0x1  }
0x13: {  	[smem:$0x3FB6] =	sst s0;
	s0 =	simm.s32 @!p1 $0x0  }
0x14: {  	s2 =	sld [smem:$0x3F9A];
	s0 =	simm.s32 @p1 $0x1  }
0x15: {  	[smem:$0x3FB7] =	sst s0;
	s0 =	simm.s32 @!p2 $0x0  }
0x16: {  	s3 =	sld [smem:$0x3FDB];
	s0 =	simm.s32 @p2 $0x1  }
0x17: {  	s4 =	simm.s32 $0x1BF5;
	[smem:$0x3FB9] =	sst s0  }
0x18: {  	s0 =	sld [smem:$0x3F9C];
	_ =	swait.ge [sflag:s4], $0x0  }
0x19: {  	s7 =	sld [smem:$0x3F9D]  }
0x1a: {  	s8 =	sadd.s32 $0xFFFFE003, lr  }
0x1b: {  	s9 =	sadd.s32 $0xFFFFFEF7, lr;
	s5 =	simm.s32 $0xFFFFFFFF;
	p2 =	slt.u32 s8, $0xFFFFF086  }
0x1c: {  	p1 =	slt.u32 s9, $0xF7A;
	s5 =	simm.s32 @!p2 $0x0  }
0x1d: {  	s5 =	simm.s32 @p1 $0x1;
	p0 =	seq.s32 s7, s2  }
0x1e: {  	s7 =	smul.u32 @!p0 $0xF7A, s2;
	p2 =	seq.s32 @!p0 s5, $0x0  }
0x1f: {  	s9 =	smul.u32 $0xF7A, s1;
	s8 =	simm.s32 @!p0 $0x1BF5;
	p2 =	por !p2, p0  }
0x20: {  	[sflag:s8] =	ssyncset.s32 @!p0 $0xFFFFF086;
	s6 =	sadd.s32 @!p0 s3, s7;
	s7 =	simm.s32 @!p0 $0x108  }
0x21: {  	s3 =	sadd.s32 s3, s9;
	s6 =	sadd.s32 @!p0 $0x88, s6;
	s7 =	simm.s32 @p2 $0x1082  }
0x22: {  	[simem:s7], [sflag:s8] =	dma.local @!p0 [hbm:s6], $0xF7A  }
0x23: {  	s9 =	sor.u32 $0xD0000000, s2;
	s6 =	simm.s32 $0x108;
	_ =	swait.ge @!p0 [sflag:s8], $0x0  }
0x24: {  	s3 =	sadd.s32 $0x88, s3;
	s6 =	simm.s32 @!p1 $0x1082;
	[sflag:s4] =	ssyncset.s32 $0xFFFFF086  }
0x25: {  	[simem:s6], [sflag:s4] =	dma.local [hbm:s3], $0xF7A  }
0x26: {  	[smem:$0x3F9D] =	sst s1;
	(tag) =	ssettag s2;
	_ =	strace s9  }
0x27: {  	s1 =	sld [smem:$0x3FAD]  }
0x28: {  	s2 =	sld [smem:$0x3FAE]  }
0x29: {  	s4 =	sld [smem:$0x3FB0]  }
0x2a: {  	p0 =	seq.s32 s5, $0x0;
	s5 =	sld [smem:$0x3FB1]  }
0x2b: {  	s6 =	sld [smem:$0x3FB2]  }
0x2c: {  	s7 =	sld [smem:$0x3FB3]  }
0x2d: {  	s3 =	simm.s32 $0x108;
	s8 =	sld [smem:$0x3FB4]  }
0x2e: {  	s3 =	simm.s32 @!p0 $0x1082;
	s9 =	sld [smem:$0x3FB5]  }
0x2f: {  	lr =	sadd.s32 s0, s3;
	s0 =	sld [smem:$0x3FAC]  }
0x30: {  	s3 =	sld [smem:$0x3FAF]  }
0x31: {  	[smem:$0x3FB8] =	sst s10  }
0x32: {  	s10 =	sld [smem:$0x3FB6];
	_ =	sdelay $0x3  }
0x33: {  	p0 =	seq.s32 s10, $0x1;
	s10 =	sld [smem:$0x3FB8];
	_ =	sdelay $0x3  }
0x34: {  	[smem:$0x3FB8] =	sst s10  }
0x35: {  	s10 =	sld [smem:$0x3FB7];
	_ =	sdelay $0x3  }
0x36: {  	p1 =	seq.s32 s10, $0x1;
	s10 =	sld [smem:$0x3FB8];
	_ =	sdelay $0x3  }
0x37: {  	[smem:$0x3FB8] =	sst s10  }
0x38: {  	s10 =	sld [smem:$0x3FB9]  }
0x39: {  	_ = 	snop;
	(pc) =	sbr.ind lr, $3  }
0x3a: {  	_ = 	snop  }
0x3b: {  	_ = 	snop  }
0x3c: {  	p2 =	seq.s32 s10, $0x1;
	s10 =	sld [smem:$0x3FB8]  }
0x3d: {  	_ =	shalt  }
0x3e: {  	_ =	shalt  }
0x3f: {  	_ =	shalt  }
0x40: {  	_ =	shalt  }
0x41: {  	_ =	shalt  }
0x42: {  	_ =	shalt  }
0x43: {  	_ =	shalt  }
0x44: {  	_ =	shalt  }
0x45: {  	_ =	shalt  }
0x46: {  	_ =	shalt  }
0x47: {  	_ =	shalt  }
0x48: {  	_ =	shalt  }
0x49: {  	_ =	shalt  }
0x4a: {  	_ =	shalt  }
0x4b: {  	_ =	shalt  }
0x4c: {  	_ =	shalt  }
0x4d: {  	_ =	shalt  }
0x4e: {  	_ =	shalt  }
0x4f: {  	_ =	shalt  }
0x50: {  	_ =	shalt  }
0x51: {  	_ =	shalt  }
0x52: {  	_ =	shalt  }
0x53: {  	_ =	shalt  }
0x54: {  	_ =	shalt  }
0x55: {  	_ =	shalt  }
0x56: {  	_ =	shalt  }
0x57: {  	_ =	shalt  }
0x58: {  	_ =	shalt  }
0x59: {  	_ =	shalt  }
0x5a: {  	_ =	shalt  }
0x5b: {  	_ =	shalt  }
0x5c: {  	_ =	shalt  }
0x5d: {  	_ =	shalt  }
0x5e: {  	_ =	shalt  }
0x5f: {  	_ =	shalt  }
0x60: {  	_ =	shalt  }
0x61: {  	_ =	shalt  }
0x62: {  	_ =	shalt  }
0x63: {  	_ =	shalt  }
0x64: {  	_ =	shalt  }
0x65: {  	_ =	shalt  }
0x66: {  	_ =	shalt  }
0x67: {  	_ =	shalt  }
0x68: {  	_ =	shalt  }
0x69: {  	_ =	shalt  }
0x6a: {  	_ =	shalt  }
0x6b: {  	_ =	shalt  }
0x6c: {  	_ =	shalt  }
0x6d: {  	_ =	shalt  }
0x6e: {  	_ =	shalt  }
0x6f: {  	_ =	shalt  }
0x70: {  	_ =	shalt  }
0x71: {  	_ =	shalt  }
0x72: {  	_ =	shalt  }
0x73: {  	_ =	shalt  }
0x74: {  	_ =	shalt  }
0x75: {  	_ =	shalt  }
0x76: {  	_ =	shalt  }
0x77: {  	_ =	shalt  }
0x78: {  	_ =	shalt  }
0x79: {  	_ =	shalt  }
0x7a: {  	_ =	shalt  }
0x7b: {  	_ =	shalt  }
0x7c: {  	_ =	shalt  }
0x7d: {  	_ =	shalt  }
0x7e: {  	_ =	shalt  }
0x7f: {  	_ =	shalt  }
0x80: {  	_ =	shalt  }
0x81: {  	_ =	shalt  }
0x82: {  	_ =	shalt  }
0x83: {  	_ =	shalt  }
0x84: {  	_ =	shalt  }
0x85: {  	_ =	shalt  }
0x86: {  	_ =	shalt  }
0x87: {  	_ =	shalt  }
.Lfunc_end0:
.L_simem_size_0:
called_computation_lowered:
.L_overlay_start_0:
0x88: {  	s2 =	sld [smem:$0x3FD9]  }
0x89: {  	s3 =	sld [smem:$0x3FFE];
	_ =	sdelay $0x1  }
0x8a: {  	s1 =	srdreg.scid  }
0x8b: {  	s0 =	sand.u32 $0x1, s1  }
0x8c: {  	s16 =	sshll.u32 s0, $0xA;
	s2 =	sadd.s32 s3, s2  }
0x8d: {  	s2 =	sadd.s32 s2, s16  }
0x8e: {  	[smem:$0x3FC4] =	sst s2  }
0x8f: {  	_ = 	snop  }
0x90: {  	s2 =	sld [smem:$0x3FD0];
	(tm) =	ssettm $0x1  }
0x91: {  	s17 =	sld [smem:$0x3FFB];
	_ =	sdelay $0x3  }
0x92: {  	_ =	strace s17  }
0x93: {  	s3 =	sld [smem:$0x3FFC];
	_ =	sdelay $0x3  }
0x94: {  	_ =	strace s3  }
0x95: {  	s3 =	sld [smem:$0x3FFD];
	_ =	sdelay $0x3  }
0x96: {  	_ =	strace s3  }
0x97: {  	_ =	strace $0x8FFFFFFF  }
0x98: {  	s18 =	sld [smem:$0x3FDB];
	_ =	sdelay $0x1  }
0x99: {  	s4 =	simm.s32 $_scs_section_size  }
0x9a: {  	s5 =	simm.s32 $_size__tile_overlayer_lowered;
	s6 =	simm.s32 $_tile_overlayer_lowered  }
0x9b: {  	s21 =	simm.s32 $0x1BFF;
	s20 =	sshll.u32 s6, $0x1;
	s3 =	sadd.s32 s4, s18  }
0x9c: {  	s7 =	simm.s32 $0x0;
	s19 =	sshll.u32 s5, $0x1;
	s5 =	sadd.s32 s20, s3  }
0x9d: {  	[timem:s7], [sflag:s21] =	dma.local [hbm:s5], s19  }
0x9e: {  	_ =	swait.ge [sflag:s21], s19  }
0x9f: {  	s4 =	ssub.s32 $0x0, s19;
	[sflag:s21] =	ssyncset.done $0x0  }
0xa0: {  	[sflag:s21] =	ssyncadd.s32 s4;
	_ =	sdelay $0x1  }
0xa1: {  	s22 =	simm.s32 $0x1B8B  }
0xa2: {  	_ =	swait.ge [sflag:s22], $0x1  }
0xa3: {  	[sflag:s22] =	ssyncset.done $0x0  }
0xa4: {  	s23 =	sld [smem:$0x3FFE];
	[sflag:s22] =	ssyncadd.s32 $0xFFFFFFFF  }
0xa5: {  	s25 =	simm.s32 $0x1B8E;
	s24 =	sld [smem:$0x0]  }
0xa6: {  	s26 =	simm.s32 $execute0_lowered;
	[smem:$0x3FD2] =	sst s25  }
0xa7: {  	s6 =	sshll.u32 s26, $0x1;
	_ =	strace $0x80000046;
	[dreg:$0x1] =	wrdreg $0xFFFFFFFF  }
0xa8: {  	s28 =	simm.s32 $_size_execute0_lowered;
	s3 =	sadd.s32 s3, s6;
	[dreg:$0x0] =	wrdreg $0x0  }
0xa9: {  	s6 =	sshll.u32 s28, $0x1;
	[dreg:$0x2] =	wrdreg s3  }
0xaa: {  	[dreg:$0x3] =	wrdreg s6  }
0xab: {  	[dreg:$0x4] =	wrdreg $0xC0  }
0xac: {  	_ =	task [dreg:s7], $0x5FFFF  }
0xad: {  	[dreg:$0x1] =	wrdreg $0xFFFFFFFF  }
0xae: {  	[dreg:$0x0] =	wrdreg $0x60  }
0xaf: {  	[dreg:$0x2] =	wrdreg s23  }
0xb0: {  	[dreg:$0x3] =	wrdreg s2  }
0xb1: {  	[dreg:$0x4] =	wrdreg s1  }
0xb2: {  	[dreg:$0x5] =	wrdreg s24  }
0xb3: {  	[dreg:$0x6] =	wrdreg $0x9  }
0xb4: {  	_ =	task.clear_ibuf [dreg:s7], $0x7FFFF;
	_ =	strace $0x90000046  }
0xb5: {  	s29 =	simm.s32 $0x9;
	_ =	strace $0x80000048  }
0xb6: {  	_ =	swait.ge [sflag:s29], $0x1  }
0xb7: {  	[sflag:s29] =	ssyncadd.s32 $0xFFFFFFFF  }
0xb8: {  	_ =	strace $0x90000048  }
0xb9: {  	_ =	sfence  }
0xba: {  	s30 =	sld [smem:$0x0];
	_ =	sdelay $0x2  }
0xbb: {  	s31 =	sshll.u32 s1, $0xD;
	s1 =	sshrl.u32 s1, $0x2  }
0xbc: {  	s3 =	sand.u32 $0x4000, s31;
	s1 =	sadd.s32 s1, s30  }
0xbd: {  	s0 =	sor.u32 s3, s0;
	s1 =	sshll.u32 s1, $0x11  }
0xbe: {  	s0 =	sor.u32 s1, s0  }
0xbf: {  	s0 =	sadd.s32 $0x8F2B, s0  }
0xc0: {  	[sflag:s0] =	ssyncadd.remote.s32 $0x1  }
0xc1: {  	_ =	sfence.sel $0xFFFF  }
0xc2: {  	[dreg:$0x0] =	wrdreg $0xFFFFFFFF;
	(pc) =	sbr.abs _section_cstart, $3  }
0xc3: {  	[dreg:$0x1] =	wrdreg $0xFFFFFFFF  }
0xc4: {  	_ =	task.clear_ibuf [dreg:s7], $0x2FFFF;
	_ =	strace $0x9FFFFFFF  }
0xc5: {  	(tm) =	ssettm $0x7FFFFFFF  }
tec
execute0_lowered:
.L_overlay_start_1:
0x0: {  	(tag) =	ssettag $0x1  }
0x1: {  	s2 =	rddreg [dreg:$0x0]  }
0x2: {  	s0 =	rddreg [dreg:$0x1]  }
0x3: {  	s3 =	rddreg [dreg:$0x2];
	_ =	strace $0x80000047;
	s1 =	simm.s32 $0x1  }
0x4: {  	s4 =	simm.s32 $0x88;
	v0 =	vimm.s32 $0x0;
	[sflag:s1] =	ssyncpa.u1 $0x0  }
0x5: {  	[tilespmem:s4+$0x30] =	vst v0  }
0x6: {  	s1 =	sadd.s32 $0x851000, s2;
	s6 =	sadd.s32 $0x13A00, s2;
	[tilespmem:s4+$0x20] =	vst v0  }
0x7: {  	s14 =	sadd.s32 $0x3200, s2;
	s9 =	sand.u32 $0x1, s3;
	s2 =	simm.s32 $0x40;
	[tilespmem:s4+$0x10] =	vst v0  }
.LBB2_1:
0x8: {  	s2 =	sadd.s32 $0x40, s2  }
0x9: {  	[tilespmem:s4+$0x0] =	vst v0;
	s4 =	sadd.s32 $0x40, s4;
	p0 =	slt.u32 s2, $0x5040  }
.Ltmp0:
0xa: {  	(pc) =	sbr.rel @p0 .LBB2_1-.Ltmp0, $4  }
0xb: {  	_ = 	snop  }
0xc: {  	[tilespmem:s4+$0x30] =	vst v0  }
0xd: {  	[tilespmem:s4+$0x20] =	vst v0  }
0xe: {  	[tilespmem:s4+$0x10] =	vst v0  }
0xf: {  	s10 =	stileid.u32  }
0x10: {  	s2 =	smul.u32 $0x34, s10  }
0x11: {  	s3 =	smin.u32 s10, $0xC  }
0x12: {  	s2 =	sadd.s32 s3, s2  }
0x13: {  	p0 =	slt.u32 s10, $0xC;
	s7 =	smul.u32 $0x140, s2;
	s2 =	simm.s32 $0x4240  }
0x14: {  	s2 =	simm.s32 @!p0 $0x4100  }
0x15: {  	s2 =	sadd.s32 s2, s7  }
0x16: {  	s8 =	smin.u32 s2, $0x41EB0  }
0x17: {  	s2 =	ssub.s32 s8, s7  }
0x18: {  	s26 =	simm.s32 $0x2;
	s29 =	simm.s32 $0x9;
	p0 =	sgt.s32 s2, $0x0  }
0x19: {  	s30 =	simm.s32 $0xA;
	s31 =	smul.u32 $0x83D6, s9;
	s2 =	simm.s32 @!p0 $0x0  }
0x1a: {  	s11 =	simm.s32 $0xB;
	[dreg:$0x5] =	wrdreg s9;
	s28 =	smulhi.u32 $0x66666667, s2  }
0x1b: {  	s12 =	simm.s32 $0x1;
	s18 =	simm.s32 $0x0;
	p1 =	por $0x0, $0x0  }
0x1c: {  	s19 =	simm.s32 $0xC;
	s23 =	simm.s32 $0x0;
	s3 =	sshrl.u32 s28, $0x7  }
0x1d: {  	s20 =	simm.s32 $0x0;
	s22 =	simm.s32 $0x0;
	s5 =	smul.u32 $0x140, s3  }
.Ltmp1:
0x1e: {  	[tilespmem:s4+$0x0] =	vst v0;
	v0 =	vimm.s32 $0xFFFFFFFF;
	[sflag:s26] =	ssyncpa.u1 $0x0;
	s16 =	sshll.u32 s10, $0x7;
	(pc) =	sbr.rel .LBB2_3-.Ltmp1, $4  }
0x1f: {  	[tilespmem:$0xA108] =	vst v0;
	[sflag:s29] =	ssyncpa.u1 $0x0;
	p0 =	sne.s32 s2, s5;
	s2 =	simm.s32 $0x1  }
0x20: {  	s14 =	sadd.s32 s31, s14;
	[sflag:s30] =	ssyncpa.u1 $0x0;
	s2 =	simm.s32 @!p0 $0x0  }
0x21: {  	s15 =	sadd.s32 s31, s0;
	[sflag:s11] =	ssyncpa.u1 $0x0;
	s13 =	sadd.s32 s2, s3  }
0x22: {  	v0 =	vlaneseq.u32;
	s21 =	smov.u32 s7;
	p0 =	por $0x1, $0x1;
	s17 =	sadd.s32 $0x1, s13  }
.LBB2_24:
0x23: {  	s0 =	sshrl.u32 s0, $0x2  }
.LBB2_26:
0x24: {  	_ =	swait.ge [sflag:s19], s0  }
0x25: {  	s30 =	ssub.s32 $0x0, s0;
	v1 =	vmov s25;
	vm0 =	veq.s32 v0, $0x0;
	[sflag:s19] =	ssyncset.done $0x0  }
0x26: {  	vm15 =	veq.s32 v0, $0x2;
	v1 =	vsel vm0, s31, v1;
	[sflag:s19] =	ssyncadd.s32 s30  }
0x27: {  	v1 =	vsel vm15, s23, v1;
	[sflag:s19] =	ssyncpa.u1 $0x1  }
0x28: {  	[tilespmem:$0xA108] =	vst v1  }
.LBB2_27:
0x29: {  	s0 =	sadd.s32 $0x140, s21  }
0x2a: {  	s2 =	smov.u32 s7;
	p2 =	slt.s32 s0, s8  }
0x2b: {  	s2 =	smov.u32 @p2 s0;
	p2 =	sne.s32 s22, s17  }
.Ltmp2:
0x2c: {  	_ = 	snop;
	(pc) =	sbr.rel @!p2 .LBB2_28-.Ltmp2, $4  }
0x2d: {  	_ = 	snop  }
0x2e: {  	s23 =	smov.u32 s20  }
0x2f: {  	s31 =	sadd.s32 $0x1, s22;
	s20 =	smov.u32 s21;
	p0 =	por !p0, !p0  }
0x30: {  	p1 =	por !p1, !p1;
	s22 =	smov.u32 s31;
	s21 =	smov.u32 s2  }
.LBB2_3:
0x31: {  	p2 =	sge.u32 s22, s13  }
0x32: {  	s0 =	smulhi.u32 @!p2 $0xAAAAAAAB, s22  }
0x33: {  	s2 =	smov.u32 s21;
	p3 =	sgt.s32 @!p2 s21, $0x41D70  }
0x34: {  	s3 =	sshra.s32 @!p2 s21, $0x1F;
	p3 =	por !p3, p2;
	s0 =	sshrl.u32 @!p2 s0, $0x1  }
0x35: {  	s3 =	sand.u32 @!p2 s3, s21;
	s2 =	simm.s32 @p3 $0x41D70;
	s0 =	smul.u32 @!p2 $0x3, s0  }
0x36: {  	s2 =	ssub.s32 @!p2 s2, s3  }
0x37: {  	s2 =	sadd.s32 @!p2 $0xFFFBE290, s2;
	s0 =	ssub.s32 @!p2 s22, s0  }
0x38: {  	s3 =	sshll.u32 @!p2 s2, $0x2;
	p3 =	sgt.s32 @!p2 s2, $0x13F;
	s0 =	smul.u32 @!p2 $0x500, s0  }
0x39: {  	s4 =	sand.u32 @!p2 $0x7, s21;
	s2 =	ssub.s32 @!p2 $0x500, s3;
	p3 =	por !p3, p2  }
0x3a: {  	s3 =	sshrl.u32 @!p2 s21, $0x3;
	s2 =	sshrl.u32 @!p2 s2, $0x2;
	s0 =	sshrl.u32 @!p2 s0, $0x2  }
0x3b: {  	s3 =	sadd.s32 @!p2 s3, s14;
	s2 =	simm.s32 @!p3 $0x0;
	s0 =	sadd.s32 @!p2 $0xA948, s0  }
0x3c: {  	[tilespmem:s0], [sflag:$0xA] =	stream.linear.gather @!p2 [hbm4b:s3+s4], s2, $0x38;
	[tilespmem:$0x1EF88] =	vst v63  }
0x3d: {  	s4 =	sadd.s32 $0xFFFFFFFF, s22  }
0x3e: {  	p2 =	sge.u32 s4, s13  }
0x3f: {  	p3 =	sgt.s32 @!p2 s20, $0x41D70  }
0x40: {  	s0 =	smov.u32 s20;
	s2 =	sshra.s32 @!p2 s20, $0x1F;
	p3 =	por !p3, p2  }
0x41: {  	s2 =	sand.u32 @!p2 s2, s20;
	s0 =	simm.s32 @p3 $0x41D70  }
0x42: {  	s0 =	ssub.s32 @!p2 s0, s2  }
0x43: {  	s0 =	sadd.s32 @!p2 $0xFFFBE290, s0  }
0x44: {  	s2 =	sshll.u32 @!p2 s0, $0x2  }
0x45: {  	p3 =	sgt.s32 @!p2 s0, $0x13F;
	s0 =	ssub.s32 @!p2 $0x500, s2  }
0x46: {  	p3 =	por !p3, p2;
	s0 =	sshrl.u32 @!p2 s0, $0x2  }
0x47: {  	s3 =	simm.s32 @!p2 $0xA;
	s2 =	sand.u32 @!p2 $0x1, s4;
	s0 =	simm.s32 @!p3 $0x0  }
0x48: {  	s2 =	smul.u32 @!p2 $0x500, s2;
	_ =	swait.ge @!p2 [sflag:s3], s0  }
0x49: {  	s5 =	ssub.s32 @!p2 $0x0, s0;
	[sflag:s3] =	ssyncset.done @!p2 $0x0  }
0x4a: {  	s2 =	sshrl.u32 @!p2 s2, $0x2;
	[sflag:s3] =	ssyncadd.s32 @!p2 s5;
	s3 =	sshrl.u32 @!p2 s20, $0x3  }
0x4b: {  	s2 =	sadd.s32 @!p2 $0xAD08, s2;
	s5 =	sand.u32 @!p2 $0x7, s20;
	s3 =	sadd.s32 @!p2 s3, s15  }
0x4c: {  	[tilespmem:s2], [sflag:$0xB] =	stream.linear.gather @!p2 [hbm4b:s3+s5], s0, $0x38;
	[tilespmem:$0x1EF88] =	vst v63  }
0x4d: {  	s0 =	ssub.s32 @!p2 $0x41EB0, s20  }
0x4e: {  	p3 =	slt.s32 @!p2 s0, $0x1  }
0x4f: {  	p3 =	por p2, p3  }
.Ltmp3:
0x50: {  	_ = 	snop;
	(pc) =	sbr.rel @p3 .LBB2_9-.Ltmp3, $1  }
0x51: {  	_ =	sdelay $0x3  }
0x52: {  	s2 =	smulhi.u32 $0xAAAAAAAB, s4;
	_ =	sdelay $0x1  }
0x53: {  	s2 =	sshrl.u32 s2, $0x1  }
0x54: {  	s2 =	smul.u32 $0x3, s2;
	_ =	sdelay $0x1  }
0x55: {  	s2 =	ssub.s32 s4, s2  }
0x56: {  	s3 =	simm.s32 $0x1;
	s2 =	smul.u32 $0x500, s2  }
.Ltmp4:
0x57: {  	s3 =	simm.s32 @!p0 $0x0;
	(pc) =	sbr.rel .LBB2_6-.Ltmp4, $4  }
0x58: {  	s3 =	smul.u32 $0x28000, s3  }
0x59: {  	p3 =	slt.s32 @!p2 s0, $0x140;
	s2 =	sshrl.u32 s2, $0x2  }
0x5a: {  	p2 =	por !p3, p2;
	s3 =	sshrl.u32 s3, $0x2;
	s2 =	sadd.s32 $0xA948, s2  }
0x5b: {  	s24 =	simm.s32 $0x0;
	s0 =	simm.s32 @p2 $0x140;
	s4 =	sadd.s32 $0xAF88, s3;
	v1 =	vmov s2  }
.LBB2_5:
0x5c: {  	p2 =	sge.s32 s24, s0  }
.Ltmp5:
0x5d: {  	_ = 	snop;
	(pc) =	sbr.rel @p2 .LBB2_9-.Ltmp5, $2  }
0x5e: {  	_ =	sdelay $0x2  }
0x5f: {  	s4 =	sadd.s32 $0x800, s4  }
.LBB2_6:
0x60: {  	p2 =	sle.s32 s0, s24  }
.Ltmp6:
0x61: {  	_ = 	snop;
	(pc) =	sbr.rel @p2 .LBB2_5-.Ltmp6, $2  }
0x62: {  	_ =	sdelay $0x2  }
0x63: {  	s5 =	smov.u32 s24;
	s24 =	sadd.s32 $0x10, s24  }
0x64: {  	s2 =	ssub.s32 s0, s5  }
0x65: {  	p2 =	slt.s32 s2, $0x10  }
0x66: {  	s2 =	simm.s32 @!p2 $0x10  }
0x67: {  	v2 =	vmov s2  }
0x68: {  	vm0 =	vgt.s32 v2, v0;
	_ =	sdelay $0x5  }
0x69: {  	v2 =	vld.idx.msk [tilespmem:v1+s5+$0x0 ss:$0x1], vm0;
	_ =	sdelay $0x2  }
0x6a: {  	p2 =	slt.s32 s24, s0;
	s2 =	smov.u32 s0  }
0x6b: {  	s3 =	smov.u32 s4;
	s25 =	simm.s32 $0x0;
	s2 =	smov.u32 @p2 s24  }
.LBB2_8:
0x6c: {  	(v2sf) =	vpush v2, s25;
	_ =	sdelay $0xc  }
0x6d: {  	s25 =	sadd.s32 $0x1, s25  }
0x6e: {  	s31 =	sadd.s32 s25, s5  }
0x6f: {  	p2 =	slt.s32 s31, s2;
	s9 =	spop (v2sf)  }
.Ltmp7:
0x70: {  	s9 =	sshll.u32 s9, $0x4;
	(pc) =	sbr.rel @p2 .LBB2_8-.Ltmp7, $4  }
0x71: {  	s9 =	sand.u32 $0x1FFFFFF0, s9  }
0x72: {  	s9 =	sadd.s32 s6, s9  }
0x73: {  	[tilespmem:s3], [sflag:$0x9] =	stream.linear.gather [hbm4b:s9+s18], $0x40, $0x38;
	[tilespmem:$0x1EF88] =	vst v63  }
0x74: {  	s3 =	sadd.s32 $0x80, s3  }
.Ltmp8:
0x75: {  	_ = 	snop;
	(pc) =	sbr.rel .LBB2_5-.Ltmp8, $1  }
0x76: {  	_ =	sdelay $0x3  }
.LBB2_9:
0x77: {  	p2 =	slt.u32 s22, $0x2  }
.Ltmp9:
0x78: {  	_ = 	snop;
	(pc) =	sbr.rel @p2 .LBB2_27-.Ltmp9, $1  }
0x79: {  	_ =	sdelay $0x3  }
0x7a: {  	p2 =	sgt.s32 s23, $0x41D70  }
0x7b: {  	s0 =	smov.u32 s23;
	s2 =	sshra.s32 s23, $0x1F;
	s3 =	ssub.s32 $0x41EB0, s23  }
0x7c: {  	s0 =	simm.s32 @!p2 $0x41D70;
	s2 =	sand.u32 s2, s23;
	p2 =	slt.s32 s3, $0x140  }
0x7d: {  	s0 =	ssub.s32 s0, s2;
	s3 =	simm.s32 @!p2 $0x140  }
0x7e: {  	s0 =	sadd.s32 $0xFFFBE290, s0;
	s10 =	sshll.u32 s3, $0x6  }
0x7f: {  	s26 =	simm.s32 $0x9;
	s24 =	sshll.u32 s0, $0x2;
	s2 =	sand.u32 $0x3FFFFFC0, s10  }
0x80: {  	p2 =	sgt.s32 s0, $0x13F;
	s25 =	ssub.s32 $0x500, s24;
	_ =	swait.ge [sflag:s26], s2  }
0x81: {  	s2 =	ssub.s32 $0x0, s2;
	[sflag:s26] =	ssyncset.done $0x0;
	s0 =	sshrl.u32 s25, $0x2  }
0x82: {  	[sflag:s26] =	ssyncadd.s32 s2;
	s0 =	simm.s32 @p2 $0x0  }
0x83: {  	_ =	swait.ge [sflag:s11], s0  }
0x84: {  	s0 =	ssub.s32 $0x0, s0;
	[sflag:s11] =	ssyncset.done $0x0  }
0x85: {  	[sflag:s11] =	ssyncadd.s32 s0  }
0x86: {  	v1 =	vld [tilespmem:$0xA108];
	_ =	sdelay $0x4  }
0x87: {  	(v2sf) =	vpush v1, $0x0  }
0x88: {  	(v2sf) =	vpush v1, $0x1  }
0x89: {  	(v2sf) =	vpush v1, $0x2;
	_ =	sdelay $0x3  }
0x8a: {  	s0 =	sadd.s32 $0x140, s23  }
0x8b: {  	s2 =	ssub.s32 $0x83D60, s23;
	p2 =	slt.s32 s8, s0  }
0x8c: {  	s0 =	smov.u32 @p2 s8;
	p2 =	sgt.s32 s2, $0x0  }
0x8d: {  	s0 =	ssub.s32 s0, s23;
	s2 =	simm.s32 @!p2 $0x0  }
0x8e: {  	p2 =	slt.s32 s2, s0  }
0x8f: {  	s0 =	smov.u32 @p2 s2  }
0x90: {  	s26 =	simm.s32 $0x1;
	p2 =	slt.s32 s0, $0x1  }
.Ltmp10:
0x91: {  	s26 =	simm.s32 @!p1 $0x0;
	(pc) =	sbr.rel @p2 .LBB2_14-.Ltmp10, $4  }
0x92: {  	s30 =	smul.u32 $0x500, s26  }
0x93: {  	s28 =	spop (v2sf)  }
0x94: {  	s31 =	sshrl.u32 s30, $0x2;
	s29 =	spop (v2sf)  }
0x95: {  	s24 =	sadd.s32 $0xAD08, s31;
	s23 =	spop (v2sf)  }
0x96: {  	s2 =	smin.u32 s0, $0x10  }
0x97: {  	v1 =	vmov s2  }
0x98: {  	p3 =	sgt.s32 s0, $0x10;
	vm1 =	vgt.u32 v1, v0  }
.Ltmp11:
0x99: {  	_ = 	snop;
	(pc) =	sbr.rel @!p3 .LBB2_13-.Ltmp11, $2  }
0x9a: {  	_ =	sdelay $0x2  }
0x9b: {  	s5 =	simm.s32 $0x10;
	s25 =	sadd.s32 $0xFFFFFFF0, s0;
	s4 =	smov.u32 s24;
	vm0 =	vmmov vm1  }
.LBB2_12:
0x9c: {  	s2 =	smin.u32 s25, $0x10;
	s5 =	sadd.s32 $0x10, s5;
	v1 =	vld.msk [tilespmem:s4+$0x0 ss:$0x1], vm1  }
0x9d: {  	v2 =	vmov s2;
	p3 =	slt.s32 s5, s0  }
0x9e: {  	vm1 =	vgt.u32 v2, v0  }
.Ltmp12:
0x9f: {  	(pc) =	sbr.rel @p3 .LBB2_12-.Ltmp12, $3  }
0xa0: {  	_ =	sdelay $0x1  }
0xa1: {  	v1 =	vshll.u32 v1, $0x4  }
0xa2: {  	s25 =	sadd.s32 $0xFFFFFFF0, s25;
	[tilespmem:s4+$0x0] =	vst.msk vm0, v1;
	s4 =	sadd.s32 $0x10, s4;
	vm0 =	vmmov vm1  }
.LBB2_13:
0xa3: {  	_ =	sdelay $0x4  }
0xa4: {  	v1 =	vld.msk [tilespmem:s4+$0x0 ss:$0x1], vm1;
	_ =	sdelay $0x4  }
0xa5: {  	v1 =	vshll.u32 v1, $0x4  }
0xa6: {  	[tilespmem:s4+$0x0] =	vst.msk vm0, v1  }
.LBB2_14:
0xa7: {  	s2 =	sand.u32 $0x1, s22  }
0xa8: {  	s2 =	smul.u32 $0x140, s2  }
0xa9: {  	p3 =	sne.s32 s29, $0xFFFFFFFF  }
0xaa: {  	v1 =	vld.msk @!p3 [tilespmem:s2+$0xAD08], $0x1;
	_ =	sdelay $0x4  }
0xab: {  	(v2sf) =	vpush @!p3 v1, $0x0;
	_ =	sdelay $0xc  }
.Ltmp13:
0xac: {  	_ = 	snop;
	(pc) =	sbr.rel @p2 .LBB2_25-.Ltmp13, $4  }
0xad: {  	_ = 	snop  }
0xae: {  	s30 =	spop @!p3 (v2sf)  }
0xaf: {  	s23 =	simm.s32 @!p3 $0x0;
	s25 =	smov.u32 s30  }
0xb0: {  	[sflag:s19] =	ssyncpa.u1 $0x0;
	s30 =	smov.u32 @p3 s28;
	s25 =	smov.u32 @p3 s29  }
0xb1: {  	v1 =	vld.msk [tilespmem:s24+$0x0], $0x1;
	_ =	sdelay $0x4  }
0xb2: {  	(v2sf) =	vpush v1, $0x0;
	_ =	sdelay $0xe  }
0xb3: {  	s2 =	smul.u32 $0x28000, s26;
	s4 =	spop (v2sf)  }
0xb4: {  	s28 =	ssub.s32 $0x0, s0;
	p2 =	seq.s32 s30, s4  }
0xb5: {  	s0 =	sadd.s32 $0x1, s28;
	s2 =	sshrl.u32 s2, $0x2;
	p3 =	sgt.s32 @!p2 s30, $0x0  }
0xb6: {  	s26 =	sadd.s32 $0xAFA8, s2;
	s2 =	smov.u32 s30;
	p3 =	por !p3, p2  }
0xb7: {  	s2 =	simm.s32 @p3 $0x0;
	p3 =	seq.s32 s0, $0x0  }
.Ltmp14:
0xb8: {  	_ = 	snop;
	(pc) =	sbr.rel @p3 .LBB2_17-.Ltmp14, $4  }
0xb9: {  	_ = 	snop  }
0xba: {  	s29 =	simm.s32 $0x0;
	s5 =	simm.s32 @!p2 $0x1;
	s3 =	smin.u32 @!p2 s2, $0x2D43278  }
0xbb: {  	s31 =	sadd.s32 $0x1, s24;
	s5 =	smov.u32 @p2 s29;
	s9 =	sand.u32 @!p2 $0x3FFFFF8, s3  }
0xbc: {  	s2 =	simm.s32 @!p2 $0x50C8;
	s3 =	sand.u32 @!p2 $0x7, s3;
	s9 =	sadd.s32 @!p2 s1, s9  }
.LBB2_16:
0xbd: {  	s10 =	smov.u32 s5  }
0xbe: {  	[tilespmem:s2], [sflag:$0x2] =	stream.linear.gather @!p2 [hbm4b:s9+s3], $0x40, $0x38;
	[tilespmem:$0x1EF88] =	vst v63  }
0xbf: {  	s0 =	sadd.s32 $0x1, s0;
	s3 =	smov.u32 s4;
	v1 =	vld.msk [tilespmem:s31+$0x0], $0x1  }
0xc0: {  	p3 =	seq.s32 s0, $0x0;
	_ =	sdelay $0x3  }
0xc1: {  	(v2sf) =	vpush v1, $0x0;
	_ =	sdelay $0xe  }
0xc2: {  	s4 =	spop (v2sf)  }
0xc3: {  	p2 =	seq.s32 s3, s4  }
0xc4: {  	p4 =	sgt.s32 @!p2 s3, $0x0;
	s2 =	sshll.u32 @!p2 s5, $0x8;
	s5 =	sadd.s32 @!p2 $0x1, s5  }
.Ltmp15:
0xc5: {  	p4 =	por !p4, p2;
	s2 =	sshra.s32 @!p2 s2, $0x2;
	(pc) =	sbr.rel @!p3 .LBB2_16-.Ltmp15, $4  }
0xc6: {  	s5 =	smov.u32 @p2 s10;
	s3 =	simm.s32 @p4 $0x0;
	s2 =	sadd.s32 @!p2 $0x50C8, s2  }
0xc7: {  	s3 =	smin.u32 @!p2 s3, $0x2D43278  }
0xc8: {  	s9 =	sand.u32 @!p2 $0x3FFFFF8, s3;
	s3 =	sand.u32 @!p2 $0x7, s3  }
0xc9: {  	s31 =	sadd.s32 $0x1, s31;
	s9 =	sadd.s32 @!p2 s1, s9  }
.LBB2_17:
0xca: {  	[tilespmem:s2], [sflag:$0x2] =	stream.linear.gather @!p2 [hbm4b:s9+s3], $0x40, $0x38;
	[tilespmem:$0x1EF88] =	vst v63  }
.Ltmp16:
0xcb: {  	s0 =	sshll.u32 s5, $0x6;
	(pc) =	sbr.rel .LBB2_18-.Ltmp16, $4  }
0xcc: {  	s31 =	simm.s32 $0x2;
	s0 =	sand.u32 $0x3FFFFFC0, s0  }
0xcd: {  	_ =	swait.ge [sflag:s31], s0  }
0xce: {  	s0 =	ssub.s32 $0x0, s0;
	[sflag:s31] =	ssyncset.done $0x0  }
0xcf: {  	[sflag:s31] =	ssyncadd.s32 s0;
	s0 =	simm.s32 $0x0  }
.LBB2_19:
0xd0: {  	v1 =	vld [tilespmem:s26+$0xFFFFFFE0];
	_ =	sdelay $0x4  }
0xd1: {  	[tilespmem:s4+$0x88] =	vst.add.f32.msk $0xffff, v1  }
0xd2: {  	v1 =	vld [tilespmem:s26+$0xFFFFFFF0];
	_ =	sdelay $0x4  }
0xd3: {  	[tilespmem:s4+$0x98] =	vst.add.f32.msk $0xffff, v1  }
0xd4: {  	v1 =	vld [tilespmem:s26+$0x0];
	_ =	sdelay $0x4  }
0xd5: {  	[tilespmem:s4+$0xA8] =	vst.add.f32.msk $0xffff, v1  }
0xd6: {  	v1 =	vld [tilespmem:s26+$0x10];
	_ =	sdelay $0x4  }
0xd7: {  	[tilespmem:s4+$0xB8] =	vst.add.f32.msk $0xffff, v1  }
.LBB2_23:
0xd8: {  	s28 =	sadd.s32 $0x1, s28  }
0xd9: {  	p2 =	seq.s32 s28, $0x0  }
.Ltmp17:
0xda: {  	_ = 	snop;
	(pc) =	sbr.rel @p2 .LBB2_24-.Ltmp17, $2  }
0xdb: {  	_ =	sdelay $0x2  }
0xdc: {  	s26 =	sadd.s32 $0x80, s26;
	s24 =	sadd.s32 $0x1, s24;
	s30 =	smov.u32 s31  }
.LBB2_18:
0xdd: {  	v1 =	vld.msk [tilespmem:s24+$0x0], $0x1;
	_ =	sdelay $0x4  }
0xde: {  	(v2sf) =	vpush v1, $0x0;
	_ =	sdelay $0xe  }
0xdf: {  	s31 =	spop (v2sf)  }
0xe0: {  	p2 =	sne.s32 s30, s31  }
.Ltmp18:
0xe1: {  	_ = 	snop;
	(pc) =	sbr.rel @!p2 .LBB2_19-.Ltmp18, $3  }
0xe2: {  	_ =	sdelay $0x1  }
0xe3: {  	s2 =	sshll.u32 s23, $0x8  }
0xe4: {  	s4 =	sshra.s32 s2, $0x2  }
0xe5: {  	p2 =	seq.s32 s30, s25  }
.Ltmp19:
0xe6: {  	_ = 	snop;
	(pc) =	sbr.rel @!p2 .LBB2_21-.Ltmp19, $1  }
0xe7: {  	_ =	sdelay $0x3  }
.Ltmp20:
0xe8: {  	s2 =	sadd.s32 $0x88, s4;
	(pc) =	sbr.rel .LBB2_22-.Ltmp20, $4  }
0xe9: {  	[spmem:s16] =	stream.linear.scatter [tilespmem:s2], [sflag:$0x1], $0x40, $0x38;
	[tilespmem:$0x1EF88] =	vst v63  }
0xea: {  	_ =	swait.ge [sflag:s12], $0x40  }
0xeb: {  	[sflag:s12] =	ssyncset.done $0x0  }
0xec: {  	[sflag:s12] =	ssyncadd.s32 $0xFFFFFFC0  }
.LBB2_21:
0xed: {  	s2 =	sshll.u32 s29, $0x8  }
0xee: {  	s2 =	sshra.s32 s2, $0x2  }
0xef: {  	v1 =	vld [tilespmem:s2+$0x50C8];
	_ =	sdelay $0x4  }
0xf0: {  	[tilespmem:s4+$0x88] =	vst.add.f32.msk $0xffff, v1  }
0xf1: {  	v1 =	vld [tilespmem:s2+$0x50D8];
	_ =	sdelay $0x4  }
0xf2: {  	[tilespmem:s4+$0x98] =	vst.add.f32.msk $0xffff, v1  }
0xf3: {  	v1 =	vld [tilespmem:s2+$0x50E8];
	_ =	sdelay $0x4  }
0xf4: {  	[tilespmem:s4+$0xA8] =	vst.add.f32.msk $0xffff, v1  }
0xf5: {  	v1 =	vld [tilespmem:s2+$0x50F8];
	_ =	sdelay $0x2  }
0xf6: {  	p2 =	sgt.u32 s30, $0x2D43278  }
0xf7: {  	s2 =	sand.u32 @!p2 $0x3FFFFF8, s30  }
0xf8: {  	s3 =	sadd.s32 $0x88, s4;
	s2 =	sadd.s32 @!p2 s1, s2;
	[tilespmem:s4+$0xB8] =	vst.add.f32.msk $0xffff, v1;
	s4 =	sand.u32 @!p2 $0x7, s30  }
0xf9: {  	[hbm4b:s2+s4] =	stream.linear.scatter @!p2 [tilespmem:s3], [sflag:$0xC], $0x40, $0x38;
	[tilespmem:$0x1EF88] =	vst v63  }
0xfa: {  	s2 =	simm.s32 $0x0  }
0xfb: {  	s2 =	simm.s32 @!p2 $0x100  }
0xfc: {  	s0 =	sadd.s32 s2, s0  }
.LBB2_22:
0xfd: {  	s2 =	sadd.s32 $0x1, s23  }
0xfe: {  	s3 =	smulhi.u32 $0xCCCCCCCD, s2;
	_ =	sdelay $0x1  }
0xff: {  	v1 =	vld [tilespmem:s26+$0xFFFFFFE0];
	s3 =	sshrl.u32 s3, $0x8  }
0x100: {  	s3 =	smul.u32 $0x140, s3;
	_ =	sdelay $0x1  }
0x101: {  	s23 =	ssub.s32 s2, s3  }
0x102: {  	s2 =	sshll.u32 s23, $0x6  }
0x103: {  	[tilespmem:s2+$0x88] =	vst v1  }
0x104: {  	v1 =	vld [tilespmem:s26+$0xFFFFFFF0];
	_ =	sdelay $0x4  }
0x105: {  	[tilespmem:s2+$0x98] =	vst v1  }
0x106: {  	v1 =	vld [tilespmem:s26+$0x0];
	_ =	sdelay $0x4  }
0x107: {  	[tilespmem:s2+$0xA8] =	vst v1  }
0x108: {  	v1 =	vld [tilespmem:s26+$0x10]  }
.Ltmp21:
0x109: {  	_ = 	snop;
	(pc) =	sbr.rel .LBB2_23-.Ltmp21, $2  }
0x10a: {  	_ =	sdelay $0x2  }
0x10b: {  	s29 =	sadd.s32 $0x1, s29;
	[tilespmem:s2+$0xB8] =	vst v1  }
.LBB2_25:
.Ltmp22:
0x10c: {  	(pc) =	sbr.rel .LBB2_26-.Ltmp22, $4  }
0x10d: {  	_ = 	snop  }
0x10e: {  	s0 =	simm.s32 $0x2  }
0x10f: {  	_ =	swait.ge [sflag:s0], $0x0  }
0x110: {  	s31 =	smov.u32 s30;
	[sflag:s0] =	ssyncset.done $0x0;
	s0 =	simm.s32 $0x0  }
.LBB2_28:
0x111: {  	_ =	sfence.sel $0x180000  }
0x112: {  	s0 =	simm.s32 $0x9;
	[bflag:$0x0] =	sbarrier.arrive $0xFFFF  }
0x113: {  	s24 =	simm.s32 $0xA;
	[sflag:s0] =	ssyncpa.u1 $0x1  }
0x114: {  	s25 =	simm.s32 $0xB;
	[sflag:s24] =	ssyncpa.u1 $0x1  }
0x115: {  	s26 =	simm.s32 $0x2;
	[sflag:s25] =	ssyncpa.u1 $0x1  }
0x116: {  	[sflag:s26] =	ssyncpa.u1 $0x1  }
0x117: {  	v0 =	vld [tilespmem:$0xA108];
	_ =	sdelay $0x4  }
0x118: {  	(v2sf) =	vpush v0, $0x0  }
0x119: {  	(v2sf) =	vpush v0, $0x1;
	_ =	sdelay $0x1  }
0x11a: {  	(v2sf) =	vpush v0, $0x2;
	_ =	sdelay $0xb  }
0x11b: {  	s0 =	spop (v2sf)  }
0x11c: {  	s2 =	spop (v2sf)  }
0x11d: {  	s3 =	smov.u32 s0;
	p0 =	sne.s32 s0, s2  }
0x11e: {  	s4 =	spop (v2sf);
	s3 =	simm.s32 @!p0 $0xFFFFFFFF  }
0x11f: {  	v2 =	vimm.s32 $0x1;
	v3 =	vlaneseq.u32;
	p0 =	seq.s32 s4, $0xFFFFFFFF;
	v1 =	vmov s3  }
0x120: {  	s15 =	stileid.u32;
	v0 =	vperm.xlane v0, v2;
	p1 =	sne.s32 @!p0 s0, s2;
	v1 =	vperm.xlane v1, v3  }
0x121: {  	vm0 =	vcmask $0x3F04;
	s6 =	simm.s32 $0xA108;
	s0 =	simm.s32 @!p0 $0x1;
	p1 =	por !p1, p0  }
0x122: {  	s3 =	sshll.u32 s15, $0x1;
	s2 =	sshll.u32 @!p0 s4, $0x8;
	s0 =	simm.s32 @p1 $0x0;
	v0 =	vsel vm0, v1, v0  }
0x123: {  	s5 =	sor.u32 $0x800, s3;
	s2 =	sshra.s32 @!p0 s2, $0x2;
	s0 =	sor.u32 @!p0 s0, s3;
	[tilespmem:$0xA108] =	vst v0  }
0x124: {  	[spmem:s5] =	stream.linear.scatter [tilespmem:s6], [sflag:$0x1], $0x2, $0x38;
	[tilespmem:$0x1EF88] =	vst v63  }
0x125: {  	s2 =	sadd.s32 @!p0 $0x88, s2;
	s0 =	sshll.u32 @!p0 s0, $0x6  }
0x126: {  	[spmem:s0] =	stream.linear.scatter @!p0 [tilespmem:s2], [sflag:$0x1], $0x40, $0x38;
	[tilespmem:$0x1EF88] =	vst v63  }
0x127: {  	s0 =	simm.s32 @!p0 $0x42  }
0x128: {  	s28 =	simm.s32 $0x1;
	s0 =	simm.s32 @p0 $0x2  }
0x129: {  	_ =	swait.ge [sflag:s28], s0  }
0x12a: {  	s0 =	ssub.s32 $0x0, s0;
	[sflag:s28] =	ssyncset.done $0x0  }
0x12b: {  	p0 =	sne.s32 s15, $0x0;
	[sflag:s28] =	ssyncadd.s32 s0  }
.Ltmp23:
0x12c: {  	_ =	sfence.stream.spmem;
	(pc) =	sbr.rel @p0 .LBB2_45-.Ltmp23, $4  }
0x12d: {  	s29 =	simm.s32 $0x3;
	[bflag:$0x0] =	sbarrier.arrive $0xFFFF  }
0x12e: {  	s30 =	simm.s32 $0x4;
	[sflag:s29] =	ssyncpa.u1 $0x1  }
0x12f: {  	s31 =	simm.s32 $0x3C;
	[sflag:s30] =	ssyncpa.u1 $0x1  }
0x130: {  	s14 =	rddreg [dreg:$0x5];
	[sflag:s31] =	ssyncpa.u1 $0x1  }
0x131: {  	_ =	sfence.stream.spmem;
	s0 =	simm.s32 $0x5  }
0x132: {  	s2 =	simm.s32 $0x800;
	s3 =	simm.s32 $0xA118;
	[sflag:s0] =	ssyncpa.u1 $0x0  }
0x133: {  	[tilespmem:s3], [sflag:$0x5] =	stream.linear.gather [spmem:s2], $0x20, $0x38;
	[tilespmem:$0x1EF88] =	vst v63  }
0x134: {  	s26 =	simm.s32 $0x0;
	s28 =	simm.s32 $0xA138  }
0x135: {  	[tilespmem:s28], [sflag:$0x5] =	stream.linear.gather [spmem:s26], $0x800, $0x38;
	[tilespmem:$0x1EF88] =	vst v63  }
0x136: {  	_ =	swait.ge [sflag:s0], $0x820  }
0x137: {  	[sflag:s0] =	ssyncset.done $0x0  }
0x138: {  	s29 =	simm.s32 $0x0;
	[sflag:s0] =	ssyncadd.s32 $0xFFFFF7E0  }
0x139: {  	v0 =	vld.msk [tilespmem:s29+$0xA118], $0x1;
	_ =	sdelay $0x1  }
0x13a: {  	s30 =	simm.s32 $0x1  }
0x13b: {  	v1 =	vld.msk [tilespmem:s30+$0xA118], $0x1;
	_ =	sdelay $0x1  }
0x13c: {  	(v2sf) =	vpush v0, $0x0;
	_ =	sdelay $0x2  }
0x13d: {  	(v2sf) =	vpush v1, $0x0;
	_ =	sdelay $0x2  }
0x13e: {  	s31 =	simm.s32 $0x2  }
0x13f: {  	v0 =	vld.msk [tilespmem:s31+$0xA118], $0x1;
	_ =	sdelay $0x2  }
0x140: {  	s4 =	simm.s32 $0xFFFFFFFF;
	s2 =	simm.s32 $0xFFFFFFFF;
	s0 =	simm.s32 $0xC  }
.LBB2_30:
0x141: {  	s3 =	smov.u32 s4;
	s5 =	smov.u32 s2  }
0x142: {  	s2 =	sshra.s32 s0, $0x2;
	p1 =	sne.s32 s0, $0x7C;
	s0 =	sadd.s32 $0x4, s0;
	(v2sf) =	vpush v0, $0x0  }
0x143: {  	v0 =	vld.msk [tilespmem:s2+$0xA118], $0x1  }
.Ltmp24:
0x144: {  	(pc) =	sbr.rel @p1 .LBB2_30-.Ltmp24, $4  }
0x145: {  	s4 =	spop (v2sf)  }
0x146: {  	p2 =	sne.s32 s5, $0xFFFFFFFF;
	s2 =	smov.u32 s4  }
0x147: {  	p3 =	seq.s32 s4, $0xFFFFFFFF;
	s2 =	smov.u32 @p2 s5  }
0x148: {  	s4 =	smov.u32 @p3 s3;
	s2 =	smov.u32 @p3 s5  }
0x149: {  	(v2sf) =	vpush v0, $0x0;
	_ =	sdelay $0x8  }
0x14a: {  	s0 =	spop (v2sf)  }
0x14b: {  	p1 =	sne.s32 s2, $0xFFFFFFFF;
	s3 =	smov.u32 s0  }
0x14c: {  	s9 =	simm.s32 $0x6;
	p2 =	seq.s32 s0, $0xFFFFFFFF;
	s3 =	smov.u32 @p1 s2  }
0x14d: {  	s6 =	simm.s32 $0x0;
	s3 =	smov.u32 @p2 s2;
	s2 =	spop (v2sf)  }
0x14e: {  	s0 =	smov.u32 @p2 s4;
	p1 =	sne.s32 s3, $0xFFFFFFFF;
	s5 =	smov.u32 s2  }
.Ltmp25:
0x14f: {  	p2 =	seq.s32 s2, $0xFFFFFFFF;
	s5 =	smov.u32 @p1 s3;
	(pc) =	sbr.rel .LBB2_32-.Ltmp25, $4  }
0x150: {  	s10 =	simm.s32 $0xA0C8;
	s5 =	smov.u32 @p2 s3;
	s7 =	spop (v2sf)  }
0x151: {  	s11 =	simm.s32 $0x0;
	p1 =	sne.s32 s5, $0xFFFFFFFF;
	s8 =	smov.u32 s7  }
0x152: {  	s2 =	smov.u32 @p2 s0;
	p2 =	seq.s32 s7, $0xFFFFFFFF;
	s8 =	smov.u32 @p1 s5  }
0x153: {  	[sflag:s9] =	ssyncpa.u1 $0x0;
	s7 =	smov.u32 @p2 s2;
	s8 =	smov.u32 @p2 s5  }
.LBB2_38:
0x154: {  	p1 =	sgt.u32 s12, $0x2D43278  }
0x155: {  	p2 =	seq.s32 @!p1 s12, s8  }
0x156: {  	p1 =	por p1, p2  }
0x157: {  	p2 =	sne.s32 @!p1 s12, s7  }
0x158: {  	p1 =	por p1, !p2  }
0x159: {  	s0 =	sshll.u32 @p1 s11, $0x8  }
0x15a: {  	s0 =	sand.u32 @!p1 $0x3FFFFF8, s12  }
0x15b: {  	s2 =	sand.u32 @!p1 $0x7, s12;
	s0 =	sadd.s32 @!p1 s1, s0  }
0x15c: {  	[tilespmem:s10], [sflag:$0x6] =	stream.linear.gather @!p1 [hbm4b:s0+s2], $0x40, $0x38;
	[tilespmem:$0x1EF88] =	vst v63  }
0x15d: {  	_ =	swait.ge @!p1 [sflag:s9], $0x40  }
0x15e: {  	[sflag:s9] =	ssyncset.done @!p1 $0x0  }
0x15f: {  	[sflag:s9] =	ssyncadd.s32 @!p1 $0xFFFFFFC0  }
0x160: {  	v1 =	vld @!p1 [tilespmem:$0xA0C8];
	_ =	sdelay $0x2  }
0x161: {  	s0 =	sshll.u32 @!p1 s11, $0x8  }
0x162: {  	s2 =	sshrl.u32 @!p1 s0, $0x2  }
0x163: {  	[tilespmem:s2+$0xA138] =	vst.add.f32.msk @!p1 $0xffff, v1  }
0x164: {  	v1 =	vld @!p1 [tilespmem:$0xA0D8];
	_ =	sdelay $0x4  }
0x165: {  	[tilespmem:s2+$0xA148] =	vst.add.f32.msk @!p1 $0xffff, v1  }
0x166: {  	v1 =	vld @!p1 [tilespmem:$0xA0E8];
	_ =	sdelay $0x4  }
0x167: {  	[tilespmem:s2+$0xA158] =	vst.add.f32.msk @!p1 $0xffff, v1  }
0x168: {  	v1 =	vld @!p1 [tilespmem:$0xA0F8];
	_ =	sdelay $0x4  }
0x169: {  	[tilespmem:s2+$0xA168] =	vst.add.f32.msk @!p1 $0xffff, v1  }
0x16a: {  	s0 =	sshrl.u32 s0, $0x2;
	[tilespmem:s6+$0xA118] =	vst.msk $0x1, v0  }
0x16b: {  	v0 =	vld [tilespmem:s0+$0xA138];
	_ =	sdelay $0x2  }
0x16c: {  	s31 =	sshll.u32 s6, $0x8  }
0x16d: {  	s2 =	sshra.s32 s31, $0x2  }
0x16e: {  	[tilespmem:s2+$0xA138] =	vst v0  }
0x16f: {  	v0 =	vld [tilespmem:s0+$0xA148];
	_ =	sdelay $0x4  }
0x170: {  	[tilespmem:s2+$0xA148] =	vst v0  }
0x171: {  	v0 =	vld [tilespmem:s0+$0xA158];
	_ =	sdelay $0x4  }
0x172: {  	[tilespmem:s2+$0xA158] =	vst v0  }
0x173: {  	v0 =	vld [tilespmem:s0+$0xA168];
	_ =	sdelay $0x4  }
0x174: {  	s6 =	sadd.s32 $0x1, s6;
	[tilespmem:s2+$0xA168] =	vst v0  }
.LBB2_39:
0x175: {  	s11 =	sadd.s32 $0x1, s11  }
0x176: {  	p1 =	sne.s32 s11, $0x20  }
.Ltmp26:
0x177: {  	_ = 	snop;
	(pc) =	sbr.rel @!p1 .LBB2_40-.Ltmp26, $1  }
0x178: {  	_ =	sdelay $0x3  }
.LBB2_32:
0x179: {  	v0 =	vld.msk [tilespmem:s11+$0xA118], $0x1;
	_ =	sdelay $0x4  }
0x17a: {  	(v2sf) =	vpush v0, $0x0;
	_ =	sdelay $0xe  }
0x17b: {  	s12 =	spop (v2sf)  }
0x17c: {  	p1 =	seq.s32 s12, $0xFFFFFFFF  }
.Ltmp27:
0x17d: {  	_ = 	snop;
	(pc) =	sbr.rel @p1 .LBB2_39-.Ltmp27, $1  }
0x17e: {  	_ =	sdelay $0x3  }
0x17f: {  	p1 =	slt.s32 s6, $0x1  }
.Ltmp28:
0x180: {  	_ = 	snop;
	(pc) =	sbr.rel @p1 .LBB2_38-.Ltmp28, $1  }
0x181: {  	_ =	sdelay $0x3  }
0x182: {  	s0 =	simm.s32 $0xA118;
	p1 =	por $0x0, $0x0  }
0x183: {  	v1 =	vld.msk @!p1 [tilespmem:s0+$0x0], $0x1;
	_ =	sdelay $0x4  }
0x184: {  	(v2sf) =	vpush @!p1 v1, $0x0;
	_ =	sdelay $0xd  }
0x185: {  	p3 =	sne.s32 s6, $0x1  }
.Ltmp29:
0x186: {  	s2 =	spop @!p1 (v2sf);
	(pc) =	sbr.rel @!p3 .LBB2_36-.Ltmp29, $4  }
0x187: {  	p2 =	seq.s32 @!p1 s12, s2  }
0x188: {  	s13 =	simm.s32 $0x0;
	p2 =	por !p2, p1  }
0x189: {  	s2 =	simm.s32 $0xFFFFFFFF;
	s13 =	simm.s32 @p2 $0xFFFFFFFF  }
0x18a: {  	s4 =	simm.s32 $0x1;
	s13 =	smov.u32 @p1 s2  }
.LBB2_35:
0x18b: {  	s2 =	smov.u32 s13;
	p1 =	sne.s32 s13, $0xFFFFFFFF  }
0x18c: {  	s0 =	sadd.s32 $0x1, s0;
	s13 =	smov.u32 s4;
	s4 =	sadd.s32 $0x1, s4  }
0x18d: {  	p2 =	sne.s32 s6, s4;
	v1 =	vld.msk @!p1 [tilespmem:s0+$0x0], $0x1;
	_ =	sdelay $0x4  }
0x18e: {  	(v2sf) =	vpush @!p1 v1, $0x0;
	_ =	sdelay $0xe  }
.Ltmp30:
0x18f: {  	s3 =	spop @!p1 (v2sf);
	(pc) =	sbr.rel @p2 .LBB2_35-.Ltmp30, $4  }
0x190: {  	p3 =	seq.s32 @!p1 s12, s3  }
0x191: {  	p3 =	por !p3, p1  }
0x192: {  	s13 =	simm.s32 @p3 $0xFFFFFFFF  }
0x193: {  	s13 =	smov.u32 @p1 s2  }
.LBB2_36:
0x194: {  	p1 =	seq.s32 s13, $0xFFFFFFFF  }
.Ltmp31:
0x195: {  	_ = 	snop;
	(pc) =	sbr.rel @p1 .LBB2_38-.Ltmp31, $1  }
0x196: {  	_ =	sdelay $0x3  }
0x197: {  	s0 =	sshll.u32 s11, $0x6  }
0x198: {  	s0 =	sand.u32 $0x3FFFFFC0, s0  }
0x199: {  	v0 =	vld [tilespmem:s0+$0xA138];
	_ =	sdelay $0x2  }
0x19a: {  	s2 =	sshll.u32 s13, $0x8  }
0x19b: {  	s2 =	sshra.s32 s2, $0x2  }
0x19c: {  	[tilespmem:s2+$0xA138] =	vst.add.f32.msk $0xffff, v0  }
0x19d: {  	v0 =	vld [tilespmem:s0+$0xA148];
	_ =	sdelay $0x4  }
0x19e: {  	[tilespmem:s2+$0xA148] =	vst.add.f32.msk $0xffff, v0  }
0x19f: {  	v0 =	vld [tilespmem:s0+$0xA158];
	_ =	sdelay $0x4  }
0x1a0: {  	[tilespmem:s2+$0xA158] =	vst.add.f32.msk $0xffff, v0  }
0x1a1: {  	v0 =	vld [tilespmem:s0+$0xA168]  }
.Ltmp32:
0x1a2: {  	_ = 	snop;
	(pc) =	sbr.rel .LBB2_39-.Ltmp32, $2  }
0x1a3: {  	_ =	sdelay $0x2  }
0x1a4: {  	[tilespmem:s2+$0xA168] =	vst.add.f32.msk $0xffff, v0  }
.LBB2_40:
0x1a5: {  	s0 =	simm.s32 $0x6;
	p1 =	seq.s32 s6, $0x0  }
0x1a6: {  	[sflag:s0] =	ssyncpa.u1 $0x1;
	v0 =	vimm.s32 @p1 $0xFFFFFFFF  }
0x1a7: {  	s0 =	sadd.s32 $0xFFFFFFFF, s6;
	[tilespmem:$0xA938] =	vst @p1 v0  }
0x1a8: {  	v0 =	vld.msk @!p1 [tilespmem:s0+$0xA118], $0x1;
	_ =	sdelay $0x1  }
0x1a9: {  	v1 =	vld.msk @!p1 [tilespmem:$0xA118], $0x1;
	_ =	sdelay $0x2  }
0x1aa: {  	p2 =	seq.s32 @!p1 s0, $0x0;
	v0 =	vbroadcast @!p1 v0, $0x0  }
0x1ab: {  	vm0 =	vmmov @!p1 $0x1;
	p2 =	por !p2, p1  }
0x1ac: {  	v1 =	vnsel @!p1 vm0, $0xFFFFFFFF, v1;
	vm0 =	vcmask @!p1 $0x308;
	v0 =	vpsel !p2, $0xFFFFFFFF, v0  }
0x1ad: {  	p2 =	sne.s32 @!p1 s8, s7;
	v0 =	vsel @!p1 vm0, v1, v0  }
0x1ae: {  	s2 =	simm.s32 @!p1 $0xA138;
	s3 =	simm.s32 @!p1 $0x0;
	p3 =	por !p2, p1;
	[tilespmem:$0xA938] =	vst @!p1 v0  }
0x1af: {  	[spmem:s3] =	stream.linear.scatter @!p1 [tilespmem:s2], [sflag:$0x1], $0x40, $0x38;
	[tilespmem:$0x1EF88] =	vst v63  }
0x1b0: {  	s2 =	sshll.u32 @!p3 s0, $0x8  }
0x1b1: {  	s2 =	sshra.s32 @!p3 s2, $0x2  }
0x1b2: {  	s3 =	simm.s32 @!p3 $0x40;
	s2 =	sadd.s32 @!p3 $0xA138, s2  }
0x1b3: {  	[spmem:s3] =	stream.linear.scatter @!p3 [tilespmem:s2], [sflag:$0x1], $0x40, $0x38;
	[tilespmem:$0x1EF88] =	vst v63  }
0x1b4: {  	s2 =	simm.s32 @!p3 $0x1  }
0x1b5: {  	_ =	swait.ge @!p3 [sflag:s2], $0x80  }
0x1b6: {  	p1 =	por p2, p1;
	[sflag:s2] =	ssyncset.done @!p3 $0x0  }
0x1b7: {  	[sflag:s2] =	ssyncadd.s32 @!p3 $0xFFFFFF80;
	s2 =	simm.s32 @!p1 $0x1  }
0x1b8: {  	_ =	swait.ge @!p1 [sflag:s2], $0x40  }
0x1b9: {  	s29 =	simm.s32 $0xA938;
	[sflag:s2] =	ssyncset.done @!p1 $0x0  }
0x1ba: {  	s30 =	simm.s32 $0x800;
	s31 =	simm.s32 $0x1;
	[sflag:s2] =	ssyncadd.s32 @!p1 $0xFFFFFFC0  }
0x1bb: {  	[spmem:s30] =	stream.linear.scatter [tilespmem:s29], [sflag:$0x1], $0x10, $0x38;
	[tilespmem:$0x1EF88] =	vst v63  }
0x1bc: {  	_ =	swait.ge [sflag:s31], $0x10  }
0x1bd: {  	[sflag:s31] =	ssyncset.done $0x0  }
0x1be: {  	p1 =	seq.s32 s14, $0x0;
	s9 =	rddreg [dreg:$0x2];
	[sflag:s31] =	ssyncadd.s32 $0xFFFFFFF0  }
0x1bf: {  	s3 =	sshll.u32 @p1 s9, $0xE;
	s8 =	rddreg [dreg:$0x3]  }
0x1c0: {  	s2 =	sadd.s32 @p1 $0x15C3C, s3;
	s3 =	sshll.u32 @p1 s8, $0x11  }
0x1c1: {  	_ =	sfence.stream.spmem;
	s2 =	sor.u32 @p1 s3, s2  }
0x1c2: {  	[sflag:s2] =	ssyncadd.remote.s32 @p1 $0x1;
	s2 =	simm.s32 @p1 $0x4  }
0x1c3: {  	s4 =	simm.s32 @!p1 $0x3C;
	s3 =	sand.u32 $0xFFFFFFFE, s9;
	_ =	swait.ge @p1 [sflag:s2], $0x12  }
0x1c4: {  	s5 =	simm.s32 @!p1 $0x0;
	s3 =	sadd.s32 @!p1 $0x4, s3;
	[sflag:s2] =	ssyncset.done @p1 $0x0  }
0x1c5: {  	s7 =	simm.s32 @!p1 $0x80;
	[sflag:s2] =	ssyncadd.s32 @p1 $0xFFFFFFEE;
	s2 =	sshll.u32 @!p1 s3, $0x1A  }
0x1c6: {  	s3 =	sshll.u32 @!p1 s3, $0xD;
	s2 =	sor.u32 @!p1 s2, s8;
	_ =	swait.eq @!p1 [sflag:s4], $0x1  }
0x1c7: {  	s3 =	sor.u32 @!p1 $0x1C04, s3;
	s4 =	simm.s32 @!p1 $0x1C03;
	s2 =	sor.u32 @!p1 $0x80004000, s2  }
0x1c8: {  	[spmem:s7], [sflag:s3] =	dma.general @!p1 [spmem:s5], [sflag:s4], length:$0x10, [dreg:$0x0], stride_count:$0x0, ici_dest:s2, dma_misc:DstOpCode:WRITE  }
0x1c9: {  	p2 =	slt.s32 s0, $0x2;
	s5 =	simm.s32 @!p1 $0x100;
	s7 =	simm.s32 @!p1 $0x102  }
0x1ca: {  	[spmem:s7], [sflag:s3] =	dma.general @!p1 [spmem:s5], [sflag:s4], length:$0x2, [dreg:$0x0], stride_count:$0x0, ici_dest:s2, dma_misc:DstOpCode:WRITE  }
.Ltmp33:
0x1cb: {  	s2 =	simm.s32 @!p1 $0x3;
	(pc) =	sbr.rel @p2 .LBB2_44-.Ltmp33, $4  }
0x1cc: {  	s3 =	sshll.u32 @!p1 s9, $0xE;
	_ =	swait.ge @!p1 [sflag:s2], $0x12  }
0x1cd: {  	s4 =	sshll.u32 @!p1 s8, $0x11;
	s3 =	sadd.s32 @!p1 $0x11C3C, s3;
	[sflag:s2] =	ssyncset.done @!p1 $0x0  }
0x1ce: {  	[sflag:s2] =	ssyncadd.s32 @!p1 $0xFFFFFFEE;
	s2 =	sor.u32 @!p1 s4, s3  }
0x1cf: {  	s0 =	simm.s32 $0x0;
	[sflag:s2] =	ssyncadd.remote.s32 @!p1 $0xFFFFFFFF  }
0x1d0: {  	s0 =	simm.s32 $0xA119  }
0x1d1: {  	v0 =	vld.msk [tilespmem:s0+$0x0], $0x1;
	_ =	sdelay $0x4  }
0x1d2: {  	(v2sf) =	vpush v0, $0x0;
	_ =	sdelay $0xd  }
0x1d3: {  	s3 =	sadd.s32 $0xFFFFFFFE, s6  }
0x1d4: {  	s4 =	sadd.s32 $0xFFFFFFFF, s3;
	s2 =	spop (v2sf)  }
0x1d5: {  	p2 =	sne.s32 s4, $0x0;
	p1 =	sgt.u32 s2, $0x2D43278  }
.Ltmp34:
0x1d6: {  	s5 =	sand.u32 @!p1 $0x3FFFFF8, s2;
	(pc) =	sbr.rel @!p2 .LBB2_43-.Ltmp34, $4  }
0x1d7: {  	s0 =	simm.s32 $0xA178;
	s2 =	sand.u32 @!p1 $0x7, s2;
	s3 =	sadd.s32 @!p1 s1, s5  }
0x1d8: {  	[hbm4b:s3+s2] =	stream.linear.scatter @!p1 [tilespmem:s0], [sflag:$0x5], $0x40, $0x38;
	[tilespmem:$0x1EF88] =	vst v63  }
0x1d9: {  	s2 =	simm.s32 $0x0  }
0x1da: {  	s6 =	simm.s32 $0xA11A;
	s5 =	simm.s32 $0x0;
	s2 =	simm.s32 @!p1 $0x100  }
.LBB2_42:
0x1db: {  	v0 =	vld.msk [tilespmem:s6+$0x0], $0x1;
	s4 =	sadd.s32 $0xFFFFFFFF, s4;
	s5 =	sadd.s32 s5, s2  }
0x1dc: {  	p1 =	sne.s32 s4, $0x0;
	_ =	sdelay $0x3  }
0x1dd: {  	(v2sf) =	vpush v0, $0x0;
	_ =	sdelay $0xe  }
.Ltmp35:
0x1de: {  	s3 =	spop (v2sf);
	(pc) =	sbr.rel @p1 .LBB2_42-.Ltmp35, $4  }
0x1df: {  	s2 =	simm.s32 $0x0;
	p2 =	sgt.u32 s3, $0x2D43278  }
0x1e0: {  	s0 =	sadd.s32 $0x40, s0;
	s2 =	simm.s32 @!p2 $0x100;
	s7 =	sand.u32 @!p2 $0x3FFFFF8, s3  }
0x1e1: {  	s6 =	sadd.s32 $0x1, s6;
	s3 =	sand.u32 @!p2 $0x7, s3;
	s7 =	sadd.s32 @!p2 s1, s7  }
0x1e2: {  	[hbm4b:s7+s3] =	stream.linear.scatter @!p2 [tilespmem:s0], [sflag:$0x5], $0x40, $0x38;
	[tilespmem:$0x1EF88] =	vst v63  }
.LBB2_43:
0x1e3: {  	s0 =	sadd.s32 s5, s2  }
0x1e4: {  	s0 =	sshrl.u32 s0, $0x2  }
.LBB2_44:
0x1e5: {  	s2 =	simm.s32 $0x5  }
0x1e6: {  	_ =	swait.ge [sflag:s2], s0  }
0x1e7: {  	s31 =	ssub.s32 $0x0, s0;
	[sflag:s2] =	ssyncset.done $0x0  }
0x1e8: {  	[sflag:s2] =	ssyncadd.s32 s31  }
0x1e9: {  	[sflag:s2] =	ssyncpa.u1 $0x1  }
.LBB2_45:
0x1ea: {  	s0 =	sor.u32 s14, s15  }
0x1eb: {  	p1 =	sne.s32 s0, $0x0  }
.Ltmp36:
0x1ec: {  	_ = 	snop;
	(pc) =	sbr.rel @p1 .LBB2_60-.Ltmp36, $3  }
0x1ed: {  	_ =	sdelay $0x1  }
0x1ee: {  	[bflag:$0x0] =	sbarrier.arrive $0xFFFF  }
0x1ef: {  	_ =	sfence  }
0x1f0: {  	s0 =	simm.s32 $0x7  }
0x1f1: {  	s2 =	simm.s32 $0x800;
	s3 =	simm.s32 $0xA118;
	[sflag:s0] =	ssyncpa.u1 $0x0  }
0x1f2: {  	[tilespmem:s3], [sflag:$0x7] =	stream.linear.gather [spmem:s2], $0x20, $0x38;
	[tilespmem:$0x1EF88] =	vst v63  }
0x1f3: {  	s30 =	simm.s32 $0xA138;
	s2 =	simm.s32 $0x0  }
0x1f4: {  	[tilespmem:s30], [sflag:$0x7] =	stream.linear.gather [spmem:s2], $0x800, $0x38;
	[tilespmem:$0x1EF88] =	vst v63  }
.Ltmp37:
0x1f5: {  	_ = 	snop;
	(pc) =	sbr.rel .LBB2_47-.Ltmp37, $4  }
0x1f6: {  	_ =	swait.ge [sflag:s0], $0x820  }
0x1f7: {  	[sflag:s0] =	ssyncset.done $0x0  }
0x1f8: {  	s31 =	simm.s32 $0x8;
	[sflag:s0] =	ssyncadd.s32 $0xFFFFF7E0  }
0x1f9: {  	s3 =	simm.s32 $0x0;
	[sflag:s31] =	ssyncpa.u1 $0x0  }
.LBB2_53:
0x1fa: {  	p1 =	slt.u32 s0, $0x2D43279  }
0x1fb: {  	s4 =	sand.u32 @p1 $0x3FFFFF8, s0  }
0x1fc: {  	s0 =	sand.u32 @p1 $0x7, s0;
	s5 =	simm.s32 @p1 $0xA0C8;
	s4 =	sadd.s32 @p1 s1, s4  }
0x1fd: {  	[tilespmem:s5], [sflag:$0x8] =	stream.linear.gather @p1 [hbm4b:s4+s0], $0x40, $0x38;
	[tilespmem:$0x1EF88] =	vst v63  }
0x1fe: {  	s0 =	simm.s32 @p1 $0x8  }
0x1ff: {  	_ =	swait.ge @p1 [sflag:s0], $0x40  }
0x200: {  	[sflag:s0] =	ssyncset.done @p1 $0x0  }
0x201: {  	[sflag:s0] =	ssyncadd.s32 @p1 $0xFFFFFFC0  }
0x202: {  	v1 =	vld @p1 [tilespmem:$0xA0C8];
	_ =	sdelay $0x2  }
0x203: {  	s0 =	sshll.u32 @p1 s3, $0x8  }
0x204: {  	s4 =	sshrl.u32 @p1 s0, $0x2  }
0x205: {  	[tilespmem:s4+$0xA138] =	vst.add.f32.msk @p1 $0xffff, v1  }
0x206: {  	v1 =	vld @p1 [tilespmem:$0xA0D8];
	_ =	sdelay $0x4  }
0x207: {  	[tilespmem:s4+$0xA148] =	vst.add.f32.msk @p1 $0xffff, v1  }
0x208: {  	v1 =	vld @p1 [tilespmem:$0xA0E8];
	_ =	sdelay $0x4  }
0x209: {  	[tilespmem:s4+$0xA158] =	vst.add.f32.msk @p1 $0xffff, v1  }
0x20a: {  	v1 =	vld @p1 [tilespmem:$0xA0F8];
	_ =	sdelay $0x3  }
0x20b: {  	s5 =	sshll.u32 @!p1 s3, $0x8  }
0x20c: {  	s5 =	smov.u32 @p1 s0;
	[tilespmem:s4+$0xA168] =	vst.add.f32.msk @p1 $0xffff, v1  }
0x20d: {  	s0 =	sshrl.u32 s5, $0x2;
	[tilespmem:s2+$0xA118] =	vst.msk $0x1, v0  }
0x20e: {  	v0 =	vld [tilespmem:s0+$0xA138];
	_ =	sdelay $0x2  }
0x20f: {  	s31 =	sshll.u32 s2, $0x8  }
0x210: {  	s4 =	sshra.s32 s31, $0x2  }
0x211: {  	[tilespmem:s4+$0xA138] =	vst v0  }
0x212: {  	v0 =	vld [tilespmem:s0+$0xA148];
	_ =	sdelay $0x4  }
0x213: {  	[tilespmem:s4+$0xA148] =	vst v0  }
0x214: {  	v0 =	vld [tilespmem:s0+$0xA158];
	_ =	sdelay $0x4  }
0x215: {  	[tilespmem:s4+$0xA158] =	vst v0  }
0x216: {  	v0 =	vld [tilespmem:s0+$0xA168];
	_ =	sdelay $0x4  }
0x217: {  	s2 =	sadd.s32 $0x1, s2;
	[tilespmem:s4+$0xA168] =	vst v0  }
.LBB2_54:
0x218: {  	s3 =	sadd.s32 $0x1, s3  }
0x219: {  	p1 =	sne.s32 s3, $0x20  }
.Ltmp38:
0x21a: {  	_ = 	snop;
	(pc) =	sbr.rel @!p1 .LBB2_55-.Ltmp38, $1  }
0x21b: {  	_ =	sdelay $0x3  }
.LBB2_47:
0x21c: {  	v0 =	vld.msk [tilespmem:s3+$0xA118], $0x1;
	_ =	sdelay $0x4  }
0x21d: {  	(v2sf) =	vpush v0, $0x0;
	_ =	sdelay $0xe  }
0x21e: {  	s0 =	spop (v2sf)  }
0x21f: {  	p1 =	seq.s32 s0, $0xFFFFFFFF  }
.Ltmp39:
0x220: {  	_ = 	snop;
	(pc) =	sbr.rel @p1 .LBB2_54-.Ltmp39, $1  }
0x221: {  	_ =	sdelay $0x3  }
0x222: {  	p1 =	slt.s32 s2, $0x1  }
.Ltmp40:
0x223: {  	_ = 	snop;
	(pc) =	sbr.rel @p1 .LBB2_53-.Ltmp40, $1  }
0x224: {  	_ =	sdelay $0x3  }
0x225: {  	s4 =	simm.s32 $0xA118;
	p1 =	por $0x0, $0x0  }
0x226: {  	v1 =	vld.msk @!p1 [tilespmem:s4+$0x0], $0x1;
	_ =	sdelay $0x4  }
0x227: {  	(v2sf) =	vpush @!p1 v1, $0x0;
	_ =	sdelay $0xd  }
0x228: {  	p3 =	sne.s32 s2, $0x1  }
.Ltmp41:
0x229: {  	s5 =	spop @!p1 (v2sf);
	(pc) =	sbr.rel @!p3 .LBB2_51-.Ltmp41, $4  }
0x22a: {  	p2 =	seq.s32 @!p1 s0, s5  }
0x22b: {  	s5 =	simm.s32 $0x0;
	p2 =	por !p2, p1  }
0x22c: {  	s7 =	simm.s32 $0xFFFFFFFF;
	s5 =	simm.s32 @p2 $0xFFFFFFFF  }
0x22d: {  	s6 =	simm.s32 $0x1;
	s5 =	smov.u32 @p1 s7  }
.LBB2_50:
0x22e: {  	s7 =	smov.u32 s5;
	p1 =	sne.s32 s5, $0xFFFFFFFF  }
0x22f: {  	s4 =	sadd.s32 $0x1, s4;
	s5 =	smov.u32 s6;
	s6 =	sadd.s32 $0x1, s6  }
0x230: {  	p2 =	sne.s32 s2, s6;
	v1 =	vld.msk @!p1 [tilespmem:s4+$0x0], $0x1;
	_ =	sdelay $0x4  }
0x231: {  	(v2sf) =	vpush @!p1 v1, $0x0;
	_ =	sdelay $0xe  }
.Ltmp42:
0x232: {  	s8 =	spop @!p1 (v2sf);
	(pc) =	sbr.rel @p2 .LBB2_50-.Ltmp42, $4  }
0x233: {  	p3 =	seq.s32 @!p1 s0, s8  }
0x234: {  	p3 =	por !p3, p1  }
0x235: {  	s5 =	simm.s32 @p3 $0xFFFFFFFF  }
0x236: {  	s5 =	smov.u32 @p1 s7  }
.LBB2_51:
0x237: {  	p1 =	seq.s32 s5, $0xFFFFFFFF  }
.Ltmp43:
0x238: {  	_ = 	snop;
	(pc) =	sbr.rel @p1 .LBB2_53-.Ltmp43, $1  }
0x239: {  	_ =	sdelay $0x3  }
0x23a: {  	s0 =	sshll.u32 s3, $0x6  }
0x23b: {  	s0 =	sand.u32 $0x3FFFFFC0, s0  }
0x23c: {  	v0 =	vld [tilespmem:s0+$0xA138];
	_ =	sdelay $0x2  }
0x23d: {  	s4 =	sshll.u32 s5, $0x8  }
0x23e: {  	s4 =	sshra.s32 s4, $0x2  }
0x23f: {  	[tilespmem:s4+$0xA138] =	vst.add.f32.msk $0xffff, v0  }
0x240: {  	v0 =	vld [tilespmem:s0+$0xA148];
	_ =	sdelay $0x4  }
0x241: {  	[tilespmem:s4+$0xA148] =	vst.add.f32.msk $0xffff, v0  }
0x242: {  	v0 =	vld [tilespmem:s0+$0xA158];
	_ =	sdelay $0x4  }
0x243: {  	[tilespmem:s4+$0xA158] =	vst.add.f32.msk $0xffff, v0  }
0x244: {  	v0 =	vld [tilespmem:s0+$0xA168]  }
.Ltmp44:
0x245: {  	_ = 	snop;
	(pc) =	sbr.rel .LBB2_54-.Ltmp44, $2  }
0x246: {  	_ =	sdelay $0x2  }
0x247: {  	[tilespmem:s4+$0xA168] =	vst.add.f32.msk $0xffff, v0  }
.LBB2_55:
0x248: {  	p1 =	slt.s32 s2, $0x1  }
.Ltmp45:
0x249: {  	_ = 	snop;
	(pc) =	sbr.rel @p1 .LBB2_59-.Ltmp45, $3  }
0x24a: {  	_ =	sdelay $0x1  }
0x24b: {  	s0 =	simm.s32 $0x8  }
0x24c: {  	[sflag:s0] =	ssyncpa.u1 $0x1;
	s0 =	simm.s32 $0x0  }
0x24d: {  	s3 =	simm.s32 $0xA118  }
0x24e: {  	v0 =	vld.msk [tilespmem:s3+$0x0], $0x1;
	_ =	sdelay $0x4  }
0x24f: {  	(v2sf) =	vpush v0, $0x0;
	_ =	sdelay $0xe  }
0x250: {  	s2 =	sadd.s32 $0xFFFFFFFF, s2;
	s4 =	spop (v2sf)  }
0x251: {  	p2 =	sne.s32 s2, $0x0;
	p1 =	sgt.u32 s4, $0x2D43278  }
.Ltmp46:
0x252: {  	s5 =	sand.u32 @!p1 $0x3FFFFF8, s4;
	(pc) =	sbr.rel @!p2 .LBB2_58-.Ltmp46, $4  }
0x253: {  	s3 =	simm.s32 $0xA138;
	s4 =	sand.u32 @!p1 $0x7, s4;
	s5 =	sadd.s32 @!p1 s1, s5  }
0x254: {  	[hbm4b:s5+s4] =	stream.linear.scatter @!p1 [tilespmem:s3], [sflag:$0x7], $0x40, $0x38;
	[tilespmem:$0x1EF88] =	vst v63  }
0x255: {  	s5 =	simm.s32 $0x0  }
0x256: {  	s4 =	simm.s32 $0xA119;
	s5 =	simm.s32 @!p1 $0x100  }
.LBB2_57:
0x257: {  	v0 =	vld.msk [tilespmem:s4+$0x0], $0x1;
	s2 =	sadd.s32 $0xFFFFFFFF, s2;
	s0 =	sadd.s32 s0, s5  }
0x258: {  	p1 =	sne.s32 s2, $0x0;
	_ =	sdelay $0x3  }
0x259: {  	(v2sf) =	vpush v0, $0x0;
	_ =	sdelay $0xe  }
.Ltmp47:
0x25a: {  	s6 =	spop (v2sf);
	(pc) =	sbr.rel @p1 .LBB2_57-.Ltmp47, $4  }
0x25b: {  	s5 =	simm.s32 $0x0;
	p2 =	sgt.u32 s6, $0x2D43278  }
0x25c: {  	s3 =	sadd.s32 $0x40, s3;
	s5 =	simm.s32 @!p2 $0x100;
	s7 =	sand.u32 @!p2 $0x3FFFFF8, s6  }
0x25d: {  	s4 =	sadd.s32 $0x1, s4;
	s6 =	sand.u32 @!p2 $0x7, s6;
	s7 =	sadd.s32 @!p2 s1, s7  }
0x25e: {  	[hbm4b:s7+s6] =	stream.linear.scatter @!p2 [tilespmem:s3], [sflag:$0x7], $0x40, $0x38;
	[tilespmem:$0x1EF88] =	vst v63  }
.LBB2_58:
0x25f: {  	s0 =	sadd.s32 s0, s5  }
0x260: {  	s0 =	sshrl.u32 s0, $0x2  }
.LBB2_59:
0x261: {  	s1 =	simm.s32 $0x7  }
0x262: {  	_ =	swait.ge [sflag:s1], s0  }
0x263: {  	s31 =	ssub.s32 $0x0, s0;
	[sflag:s1] =	ssyncset.done $0x0  }
0x264: {  	[sflag:s1] =	ssyncadd.s32 s31  }
0x265: {  	[sflag:s1] =	ssyncpa.u1 $0x1  }
.LBB2_60:
0x266: {  	_ =	sfence;
	s0 =	simm.s32 $0x1  }
0x267: {  	[sflag:s0] =	ssyncpa.u1 $0x1  }
0x268: {  	_ =	strace $0x90000047  }
0x269: {  	[bflag:$0x2] =	sbarrier.arrive $0xFFFF  }
0x26a: {  	s0 =	rddreg [dreg:$0x4]  }
0x26b: {  	s0 =	sadd.s32 @!p0 $0x100000, s0  }
0x26c: {  	[sflag:s0] =	ssyncadd.tile.s32 @!p0 $0x1;
	_ =	shalt  }
.Lfunc_end2:
_tile_overlayer_lowered:
.L_overlay_start_2:
0x26d: {  	(tag) =	ssettag $0x2  }
0x26e: {  	s0 =	rddreg [dreg:$0x0];
	s2 =	stileid.u32  }
0x26f: {  	s1 =	rddreg [dreg:$0x1];
	p0 =	sne.s32 s2, $0x0  }
0x270: {  	s3 =	rddreg [dreg:$0x2];
	[bflag:$0x3] =	sbarrier.arrive $0xFFFF;
	s2 =	simm.s32 @!p0 $0x1C01  }
0x271: {  	[timem:s3], [sflag:s2] =	dma.local @!p0 [hbm:s0], s1  }
0x272: {  	s0 =	simm.s32 @!p0 $0x1  }
0x273: {  	_ =	swait.ge @!p0 [sflag:s0], s1  }
0x274: {  	s1 =	ssub.s32 @!p0 $0x0, s1;
	[sflag:s0] =	ssyncset.done @!p0 $0x0  }
0x275: {  	[sflag:s0] =	ssyncadd.s32 @!p0 s1  }
0x276: {  	[bflag:$0x3] =	sbarrier.arrive $0xFFFF  }
0x277: {  	_ =	shalt  }

</sc_bundles>
